<compile_context>
chip_gen: v7x
topology: tpu7x:2x2x1
jax: 0.10.2.dev20260603
libtpu: 0.0.44.dev20260713+nightly
codegen_flags: <defaults>
</compile_context>

<pallas_src>
import functools

import jax
import jax.numpy as jnp
from jax import lax
from jax.experimental import pallas as pl
from jax.experimental.pallas import tpu as pltpu
from jax.experimental.pallas import tpu_sc as plsc

VOCAB_ROWS = 32
EMBED_DIM = 64
BATCH = 4096
SEQ = 200
TOTAL = BATCH * SEQ

_info = plsc.get_sparse_core_info()
_NC = _info.num_cores
_NS = _info.num_subcores
_NW = _NC * _NS
PER_W = TOTAL // _NW
CHUNK = 128
N_CHUNKS = PER_W // CHUNK
NBUF = 4
SKEW = 2


def _make_kernel():
    mesh = plsc.VectorSubcoreMesh(core_axis_name="c", subcore_axis_name="s")

    @functools.partial(
        pl.kernel,
        mesh=mesh,
        out_type=jax.ShapeDtypeStruct((TOTAL, EMBED_DIM), jnp.float32),
        compiler_params=pltpu.CompilerParams(use_tc_tiling_on_sc=False),
        scratch_types=[
            pltpu.VMEM((PER_W,), jnp.int32),
            pltpu.VMEM((NBUF, CHUNK, EMBED_DIM), jnp.float32),
            pltpu.VMEM_SHARED((VOCAB_ROWS, EMBED_DIM), jnp.float32),
        ]
        + [pltpu.SemaphoreType.DMA] * (2 * NBUF),
    )
    def k(idx_hbm, table_hbm, out_hbm, idx_v, rows, table_sh,
          g0, g1, g2, g3, o0, o1, o2, o3):
        gsem = [g0, g1, g2, g3]
        osem = [o0, o1, o2, o3]
        wid = lax.axis_index("s") * _NC + lax.axis_index("c")
        base = wid * PER_W

        @pl.when(lax.axis_index("s") == 0)
        def _():
            pltpu.sync_copy(table_hbm, table_sh)

        pltpu.sync_copy(idx_hbm.at[pl.ds(base, PER_W)], idx_v)
        plsc.subcore_barrier()

        def sg(q, b, start):
            cp = pltpu.make_async_copy(
                table_sh.at[idx_v.at[pl.ds(q * CHUNK, CHUNK)]],
                rows.at[b], gsem[b])
            cp.start() if start else cp.wait()

        def sw(q, b, start):
            cp = pltpu.make_async_copy(
                rows.at[b],
                out_hbm.at[pl.ds(base + q * CHUNK, CHUNK)], osem[b])
            cp.start() if start else cp.wait()

        for b in range(NBUF):
            sg(b, b, True)
        for b in range(SKEW):
            sg(b, b, False)
            sw(b, b, True)

        def body(i, carry):
            qb = i * NBUF
            for b in range(NBUF):
                q = qb + b
                sw(q - NBUF, b, False)
                sg(q, b, True)
                qw = q - SKEW
                bw = (b + NBUF - SKEW) % NBUF
                sg(qw, bw, False)
                sw(qw, bw, True)
            return carry

        lax.fori_loop(1, N_CHUNKS // NBUF, body, 0)

        lastq = N_CHUNKS - NBUF
        for b in range(SKEW, NBUF):
            sg(lastq + b, b, False)
            sw(lastq + b, b, True)
        for b in range(NBUF):
            sw(lastq + b, b, False)

    return k


_sc_gather = _make_kernel()


def kernel(inputs, embedding_table):
    idx = inputs.reshape(TOTAL)
    out = _sc_gather(idx, embedding_table)
    return out.reshape(BATCH, SEQ, EMBED_DIM)

# --- scband reference (transcript-rebuilt; emitter-appended) ---
"""Pipeline reference for scband-test-model-34119220199602 (READ-ONLY COPY).

The authoritative reference and input builder live on the scoring server;
editing this copy changes nothing except your own understanding.
"""

import jax, jax.numpy as jnp
import numpy as np

VOCAB_ROWS = 32  # len(vocab_dict) + 2
EMBED_DIM = 64
BATCH = 4096
SEQ = 200


def setup_inputs(seed: int = 0) -> dict:
    key = jax.random.key(seed)
    k1, k2 = jax.random.split(key)
    inputs = jax.random.randint(k1, (BATCH, SEQ), 0, VOCAB_ROWS, dtype=jnp.int32)
    # Keras Embedding default initializer is uniform(-0.05, 0.05)
    embedding_table = jax.random.uniform(k2, (VOCAB_ROWS, EMBED_DIM), dtype=jnp.float32, minval=-0.05, maxval=0.05)
    return {"inputs": inputs, "embedding_table": embedding_table}


def reference(inputs, embedding_table):
    # The original call() converts the dense tensor to a RaggedTensor with
    # uniform row lengths and prints row_splits; neither affects the math.
    # tf.keras.layers.Embedding on a (ragged-but-uniform) batch is a row gather.
    x = jnp.take(embedding_table, inputs, axis=0)  # [B, S, D]
    return x

if __name__ == "__main__":
    import jax
    _d = setup_inputs()
    print(jax.jit(kernel)(*tuple(_d.values())))

</pallas_src>

<mosaic_0001>
#map = affine_map<(d0, d1) -> (0)>
#map1 = affine_map<(d0, d1) -> (0, 0)>
module attributes {stable_mosaic.version = 14 : i64} {
  func.func @k(%arg0: i32, %arg1: i32, %arg2: memref<819200xi32, #tpu.memory_space<hbm>>, %arg3: memref<32x64xf32, #tpu.memory_space<hbm>>, %arg4: memref<819200x64xf32, #tpu.memory_space<hbm>>, %arg5: memref<25600xi32, #tpu.memory_space<vmem>>, %arg6: memref<4x128x64xf32, #tpu.memory_space<vmem>>, %arg7: memref<32x64xf32, #tpu.memory_space<vmem_shared>>, %arg8: memref<!tpu.dma_semaphore, #tpu.memory_space<semaphore_mem>>, %arg9: memref<!tpu.dma_semaphore, #tpu.memory_space<semaphore_mem>>, %arg10: memref<!tpu.dma_semaphore, #tpu.memory_space<semaphore_mem>>, %arg11: memref<!tpu.dma_semaphore, #tpu.memory_space<semaphore_mem>>, %arg12: memref<!tpu.dma_semaphore, #tpu.memory_space<semaphore_mem>>, %arg13: memref<!tpu.dma_semaphore, #tpu.memory_space<semaphore_mem>>, %arg14: memref<!tpu.dma_semaphore, #tpu.memory_space<semaphore_mem>>, %arg15: memref<!tpu.dma_semaphore, #tpu.memory_space<semaphore_mem>>) attributes {dimension_semantics = [#tpu.dimension_semantics<core_parallel>, #tpu.dimension_semantics<subcore_parallel>], iteration_bounds = array<i64: 2, 16>, scalar_prefetch = 0 : i64, scratch_operands = 11 : i64, tpu.core_type = #tpu.core_type<sc_vector_subcore>, window_params = [{transform_indices = #map}, {transform_indices = #map1}, {transform_indices = #map1}]} {
    %mul3A = arith.constant 2 : i32
    %mul3A_0 = arith.muli %arg1, %mul3A : i32
    %add3A = arith.addi %mul3A_0, %arg0 : i32
    %mul3A_1 = arith.constant 25600 : i32
    %mul3A_2 = arith.muli %add3A, %mul3A_1 : i32
    %eq3A = arith.constant 0 : i32
    %eq3A_3 = arith.cmpi eq, %arg1, %eq3A : i32
    %convert_element_type3A = arith.extui %eq3A_3 : i1 to i32
    %cond3A = arith.constant 0 : i32
    %cond3A_4 = arith.cmpi ne, %convert_element_type3A, %cond3A : i32
    scf.if %cond3A_4 {
      "tpu.region"() ({
        %run_scoped3A = tpu.sem_alloc : memref<!tpu.dma_semaphore, #tpu.memory_space<semaphore_mem>>
        tpu.enqueue_dma source(%arg3 : memref<32x64xf32, #tpu.memory_space<hbm>>) target(%arg7 : memref<32x64xf32, #tpu.memory_space<vmem_shared>>) target_semaphore(%run_scoped3A : memref<!tpu.dma_semaphore, #tpu.memory_space<semaphore_mem>>)
        tpu.wait_dma2 semaphore(%run_scoped3A : memref<!tpu.dma_semaphore, #tpu.memory_space<semaphore_mem>>) src(%arg3 : memref<32x64xf32, #tpu.memory_space<hbm>>) dst(%arg7 : memref<32x64xf32, #tpu.memory_space<vmem_shared>>)
        tpu.yield
      }) : () -> ()
    } else {
    }
    "tpu.region"() ({
      %run_scoped3A = tpu.sem_alloc : memref<!tpu.dma_semaphore, #tpu.memory_space<semaphore_mem>>
      %dma_start3A_208 = tpu.memref_slice %arg2[%mul3A_2] : memref<819200xi32, #tpu.memory_space<hbm>> -> memref<25600xi32, #tpu.memory_space<hbm>>
      %dma_start3A_209 = tpu.memref_slice %arg2[%mul3A_2] : memref<819200xi32, #tpu.memory_space<hbm>> -> memref<25600xi32, #tpu.memory_space<hbm>>
      tpu.enqueue_dma source(%dma_start3A_209 : memref<25600xi32, #tpu.memory_space<hbm>>) target(%arg5 : memref<25600xi32, #tpu.memory_space<vmem>>) target_semaphore(%run_scoped3A : memref<!tpu.dma_semaphore, #tpu.memory_space<semaphore_mem>>)
      %dma_wait3A_210 = tpu.memref_slice %arg2[%mul3A_2] : memref<819200xi32, #tpu.memory_space<hbm>> -> memref<25600xi32, #tpu.memory_space<hbm>>
      %dma_wait3A_211 = tpu.memref_slice %arg2[%mul3A_2] : memref<819200xi32, #tpu.memory_space<hbm>> -> memref<25600xi32, #tpu.memory_space<hbm>>
      tpu.wait_dma2 semaphore(%run_scoped3A : memref<!tpu.dma_semaphore, #tpu.memory_space<semaphore_mem>>) src(%dma_wait3A_211 : memref<25600xi32, #tpu.memory_space<hbm>>) dst(%arg5 : memref<25600xi32, #tpu.memory_space<vmem>>)
      tpu.yield
    }) : () -> ()
    %barrier3A = arith.constant 0 : index
    tpu.barrier barrier_id(%barrier3A)
    %dma_start3A = arith.constant 0 : i32
    %dma_start3A_5 = arith.constant 0 : i32
    %dma_start3A_6 = arith.constant 0 : i32
    %dma_start3A_7 = tpu.memref_slice %arg6[%dma_start3A, %dma_start3A_5, %dma_start3A_6] : memref<4x128x64xf32, #tpu.memory_space<vmem>> -> memref<1x128x64xf32, #tpu.memory_space<vmem>>
    %dma_start3A_8 = tpu.memref_squeeze %dma_start3A_7 : memref<1x128x64xf32, #tpu.memory_space<vmem>> -> memref<128x64xf32, #tpu.memory_space<vmem>>
    %dma_start3A_9 = arith.constant 0 : i32
    %dma_start3A_10 = tpu.memref_slice %arg5[%dma_start3A_9] : memref<25600xi32, #tpu.memory_space<vmem>> -> memref<128xi32, #tpu.memory_space<vmem>>
    %dma_start3A_11 = arith.constant 0 : i32
    %dma_start3A_12 = arith.constant 0 : i32
    %dma_start3A_13 = tpu.memref_slice %arg7[%dma_start3A_11, %dma_start3A_12] : memref<32x64xf32, #tpu.memory_space<vmem_shared>> -> memref<32x64xf32, #tpu.memory_space<vmem_shared>>
    tpu.enqueue_indirect_dma source(%dma_start3A_13 : memref<32x64xf32, #tpu.memory_space<vmem_shared>>) target(%dma_start3A_8 : memref<128x64xf32, #tpu.memory_space<vmem>>) offsets(%dma_start3A_10 : memref<128xi32, #tpu.memory_space<vmem>>) semaphore(%arg8 : memref<!tpu.dma_semaphore, #tpu.memory_space<semaphore_mem>>)
    %dma_start3A_14 = arith.constant 1 : i32
    %dma_start3A_15 = arith.constant 0 : i32
    %dma_start3A_16 = arith.constant 0 : i32
    %dma_start3A_17 = tpu.memref_slice %arg6[%dma_start3A_14, %dma_start3A_15, %dma_start3A_16] : memref<4x128x64xf32, #tpu.memory_space<vmem>> -> memref<1x128x64xf32, #tpu.memory_space<vmem>>
    %dma_start3A_18 = tpu.memref_squeeze %dma_start3A_17 : memref<1x128x64xf32, #tpu.memory_space<vmem>> -> memref<128x64xf32, #tpu.memory_space<vmem>>
    %dma_start3A_19 = arith.constant 128 : i32
    %dma_start3A_20 = tpu.memref_slice %arg5[%dma_start3A_19] : memref<25600xi32, #tpu.memory_space<vmem>> -> memref<128xi32, #tpu.memory_space<vmem>>
    %dma_start3A_21 = arith.constant 0 : i32
    %dma_start3A_22 = arith.constant 0 : i32
    %dma_start3A_23 = tpu.memref_slice %arg7[%dma_start3A_21, %dma_start3A_22] : memref<32x64xf32, #tpu.memory_space<vmem_shared>> -> memref<32x64xf32, #tpu.memory_space<vmem_shared>>
    tpu.enqueue_indirect_dma source(%dma_start3A_23 : memref<32x64xf32, #tpu.memory_space<vmem_shared>>) target(%dma_start3A_18 : memref<128x64xf32, #tpu.memory_space<vmem>>) offsets(%dma_start3A_20 : memref<128xi32, #tpu.memory_space<vmem>>) semaphore(%arg9 : memref<!tpu.dma_semaphore, #tpu.memory_space<semaphore_mem>>)
    %dma_start3A_24 = arith.constant 2 : i32
    %dma_start3A_25 = arith.constant 0 : i32
    %dma_start3A_26 = arith.constant 0 : i32
    %dma_start3A_27 = tpu.memref_slice %arg6[%dma_start3A_24, %dma_start3A_25, %dma_start3A_26] : memref<4x128x64xf32, #tpu.memory_space<vmem>> -> memref<1x128x64xf32, #tpu.memory_space<vmem>>
    %dma_start3A_28 = tpu.memref_squeeze %dma_start3A_27 : memref<1x128x64xf32, #tpu.memory_space<vmem>> -> memref<128x64xf32, #tpu.memory_space<vmem>>
    %dma_start3A_29 = arith.constant 256 : i32
    %dma_start3A_30 = tpu.memref_slice %arg5[%dma_start3A_29] : memref<25600xi32, #tpu.memory_space<vmem>> -> memref<128xi32, #tpu.memory_space<vmem>>
    %dma_start3A_31 = arith.constant 0 : i32
    %dma_start3A_32 = arith.constant 0 : i32
    %dma_start3A_33 = tpu.memref_slice %arg7[%dma_start3A_31, %dma_start3A_32] : memref<32x64xf32, #tpu.memory_space<vmem_shared>> -> memref<32x64xf32, #tpu.memory_space<vmem_shared>>
    tpu.enqueue_indirect_dma source(%dma_start3A_33 : memref<32x64xf32, #tpu.memory_space<vmem_shared>>) target(%dma_start3A_28 : memref<128x64xf32, #tpu.memory_space<vmem>>) offsets(%dma_start3A_30 : memref<128xi32, #tpu.memory_space<vmem>>) semaphore(%arg10 : memref<!tpu.dma_semaphore, #tpu.memory_space<semaphore_mem>>)
    %dma_start3A_34 = arith.constant 3 : i32
    %dma_start3A_35 = arith.constant 0 : i32
    %dma_start3A_36 = arith.constant 0 : i32
    %dma_start3A_37 = tpu.memref_slice %arg6[%dma_start3A_34, %dma_start3A_35, %dma_start3A_36] : memref<4x128x64xf32, #tpu.memory_space<vmem>> -> memref<1x128x64xf32, #tpu.memory_space<vmem>>
    %dma_start3A_38 = tpu.memref_squeeze %dma_start3A_37 : memref<1x128x64xf32, #tpu.memory_space<vmem>> -> memref<128x64xf32, #tpu.memory_space<vmem>>
    %dma_start3A_39 = arith.constant 384 : i32
    %dma_start3A_40 = tpu.memref_slice %arg5[%dma_start3A_39] : memref<25600xi32, #tpu.memory_space<vmem>> -> memref<128xi32, #tpu.memory_space<vmem>>
    %dma_start3A_41 = arith.constant 0 : i32
    %dma_start3A_42 = arith.constant 0 : i32
    %dma_start3A_43 = tpu.memref_slice %arg7[%dma_start3A_41, %dma_start3A_42] : memref<32x64xf32, #tpu.memory_space<vmem_shared>> -> memref<32x64xf32, #tpu.memory_space<vmem_shared>>
    tpu.enqueue_indirect_dma source(%dma_start3A_43 : memref<32x64xf32, #tpu.memory_space<vmem_shared>>) target(%dma_start3A_38 : memref<128x64xf32, #tpu.memory_space<vmem>>) offsets(%dma_start3A_40 : memref<128xi32, #tpu.memory_space<vmem>>) semaphore(%arg11 : memref<!tpu.dma_semaphore, #tpu.memory_space<semaphore_mem>>)
    %dma_wait3A = arith.constant 0 : i32
    %dma_wait3A_44 = arith.constant 0 : i32
    %dma_wait3A_45 = arith.constant 0 : i32
    %dma_wait3A_46 = tpu.memref_slice %arg6[%dma_wait3A, %dma_wait3A_44, %dma_wait3A_45] : memref<4x128x64xf32, #tpu.memory_space<vmem>> -> memref<1x128x64xf32, #tpu.memory_space<vmem>>
    %dma_wait3A_47 = tpu.memref_squeeze %dma_wait3A_46 : memref<1x128x64xf32, #tpu.memory_space<vmem>> -> memref<128x64xf32, #tpu.memory_space<vmem>>
    %dma_wait3A_48 = arith.constant 0 : i32
    %dma_wait3A_49 = tpu.memref_slice %arg5[%dma_wait3A_48] : memref<25600xi32, #tpu.memory_space<vmem>> -> memref<128xi32, #tpu.memory_space<vmem>>
    %dma_wait3A_50 = arith.constant 0 : i32
    %dma_wait3A_51 = arith.constant 0 : i32
    %dma_wait3A_52 = tpu.memref_slice %arg7[%dma_wait3A_50, %dma_wait3A_51] : memref<32x64xf32, #tpu.memory_space<vmem_shared>> -> memref<32x64xf32, #tpu.memory_space<vmem_shared>>
    tpu.wait_indirect_dma semaphore(%arg8 : memref<!tpu.dma_semaphore, #tpu.memory_space<semaphore_mem>>) src(%dma_wait3A_52 : memref<32x64xf32, #tpu.memory_space<vmem_shared>>) dst(%dma_wait3A_47 : memref<128x64xf32, #tpu.memory_space<vmem>>)
    %add3A_53 = arith.constant 0 : i32
    %add3A_54 = arith.addi %mul3A_2, %add3A_53 : i32
    %dma_start3A_55 = arith.constant 0 : i32
    %dma_start3A_56 = arith.constant 0 : i32
    %dma_start3A_57 = arith.constant 0 : i32
    %dma_start3A_58 = tpu.memref_slice %arg6[%dma_start3A_55, %dma_start3A_56, %dma_start3A_57] : memref<4x128x64xf32, #tpu.memory_space<vmem>> -> memref<1x128x64xf32, #tpu.memory_space<vmem>>
    %dma_start3A_59 = tpu.memref_squeeze %dma_start3A_58 : memref<1x128x64xf32, #tpu.memory_space<vmem>> -> memref<128x64xf32, #tpu.memory_space<vmem>>
    %dma_start3A_60 = arith.constant 0 : i32
    %dma_start3A_61 = tpu.memref_slice %arg4[%add3A_54, %dma_start3A_60] : memref<819200x64xf32, #tpu.memory_space<hbm>> -> memref<128x64xf32, #tpu.memory_space<hbm>>
    %dma_start3A_62 = arith.constant 0 : i32
    %dma_start3A_63 = tpu.memref_slice %arg4[%add3A_54, %dma_start3A_62] : memref<819200x64xf32, #tpu.memory_space<hbm>> -> memref<128x64xf32, #tpu.memory_space<hbm>>
    %dma_start3A_64 = arith.constant 0 : i32
    %dma_start3A_65 = arith.constant 0 : i32
    %dma_start3A_66 = tpu.memref_slice %arg6[%dma_start3A_55, %dma_start3A_64, %dma_start3A_65] : memref<4x128x64xf32, #tpu.memory_space<vmem>> -> memref<1x128x64xf32, #tpu.memory_space<vmem>>
    %dma_start3A_67 = tpu.memref_squeeze %dma_start3A_66 : memref<1x128x64xf32, #tpu.memory_space<vmem>> -> memref<128x64xf32, #tpu.memory_space<vmem>>
    tpu.enqueue_dma source(%dma_start3A_67 : memref<128x64xf32, #tpu.memory_space<vmem>>) target(%dma_start3A_63 : memref<128x64xf32, #tpu.memory_space<hbm>>) target_semaphore(%arg12 : memref<!tpu.dma_semaphore, #tpu.memory_space<semaphore_mem>>)
    %dma_wait3A_68 = arith.constant 1 : i32
    %dma_wait3A_69 = arith.constant 0 : i32
    %dma_wait3A_70 = arith.constant 0 : i32
    %dma_wait3A_71 = tpu.memref_slice %arg6[%dma_wait3A_68, %dma_wait3A_69, %dma_wait3A_70] : memref<4x128x64xf32, #tpu.memory_space<vmem>> -> memref<1x128x64xf32, #tpu.memory_space<vmem>>
    %dma_wait3A_72 = tpu.memref_squeeze %dma_wait3A_71 : memref<1x128x64xf32, #tpu.memory_space<vmem>> -> memref<128x64xf32, #tpu.memory_space<vmem>>
    %dma_wait3A_73 = arith.constant 128 : i32
    %dma_wait3A_74 = tpu.memref_slice %arg5[%dma_wait3A_73] : memref<25600xi32, #tpu.memory_space<vmem>> -> memref<128xi32, #tpu.memory_space<vmem>>
    %dma_wait3A_75 = arith.constant 0 : i32
    %dma_wait3A_76 = arith.constant 0 : i32
    %dma_wait3A_77 = tpu.memref_slice %arg7[%dma_wait3A_75, %dma_wait3A_76] : memref<32x64xf32, #tpu.memory_space<vmem_shared>> -> memref<32x64xf32, #tpu.memory_space<vmem_shared>>
    tpu.wait_indirect_dma semaphore(%arg9 : memref<!tpu.dma_semaphore, #tpu.memory_space<semaphore_mem>>) src(%dma_wait3A_77 : memref<32x64xf32, #tpu.memory_space<vmem_shared>>) dst(%dma_wait3A_72 : memref<128x64xf32, #tpu.memory_space<vmem>>)
    %add3A_78 = arith.constant 128 : i32
    %add3A_79 = arith.addi %mul3A_2, %add3A_78 : i32
    %dma_start3A_80 = arith.constant 1 : i32
    %dma_start3A_81 = arith.constant 0 : i32
    %dma_start3A_82 = arith.constant 0 : i32
    %dma_start3A_83 = tpu.memref_slice %arg6[%dma_start3A_80, %dma_start3A_81, %dma_start3A_82] : memref<4x128x64xf32, #tpu.memory_space<vmem>> -> memref<1x128x64xf32, #tpu.memory_space<vmem>>
    %dma_start3A_84 = tpu.memref_squeeze %dma_start3A_83 : memref<1x128x64xf32, #tpu.memory_space<vmem>> -> memref<128x64xf32, #tpu.memory_space<vmem>>
    %dma_start3A_85 = arith.constant 0 : i32
    %dma_start3A_86 = tpu.memref_slice %arg4[%add3A_79, %dma_start3A_85] : memref<819200x64xf32, #tpu.memory_space<hbm>> -> memref<128x64xf32, #tpu.memory_space<hbm>>
    %dma_start3A_87 = arith.constant 0 : i32
    %dma_start3A_88 = tpu.memref_slice %arg4[%add3A_79, %dma_start3A_87] : memref<819200x64xf32, #tpu.memory_space<hbm>> -> memref<128x64xf32, #tpu.memory_space<hbm>>
    %dma_start3A_89 = arith.constant 0 : i32
    %dma_start3A_90 = arith.constant 0 : i32
    %dma_start3A_91 = tpu.memref_slice %arg6[%dma_start3A_80, %dma_start3A_89, %dma_start3A_90] : memref<4x128x64xf32, #tpu.memory_space<vmem>> -> memref<1x128x64xf32, #tpu.memory_space<vmem>>
    %dma_start3A_92 = tpu.memref_squeeze %dma_start3A_91 : memref<1x128x64xf32, #tpu.memory_space<vmem>> -> memref<128x64xf32, #tpu.memory_space<vmem>>
    tpu.enqueue_dma source(%dma_start3A_92 : memref<128x64xf32, #tpu.memory_space<vmem>>) target(%dma_start3A_88 : memref<128x64xf32, #tpu.memory_space<hbm>>) target_semaphore(%arg13 : memref<!tpu.dma_semaphore, #tpu.memory_space<semaphore_mem>>)
    %scan3A = arith.constant 0 : i32
    %scan3A_93 = arith.constant 1 : i32
    %scan3A_94 = arith.constant 49 : i32
    %scan3A_95 = arith.addi %scan3A_93, %scan3A_94 : i32
    %scan3A_96 = arith.constant 1 : i32
    scf.for %scan3A_208 = %scan3A_93 to %scan3A_95 step %scan3A_96  : i32 {
      %mul3A_209 = arith.constant 4 : i32
      %mul3A_210 = arith.muli %scan3A_208, %mul3A_209 : i32
      %add3A_211 = arith.constant 0 : i32
      %add3A_212 = arith.addi %mul3A_210, %add3A_211 : i32
      %sub3A = arith.constant 4 : i32
      %sub3A_213 = arith.subi %add3A_212, %sub3A : i32
      %mul3A_214 = arith.constant 128 : i32
      %mul3A_215 = arith.muli %sub3A_213, %mul3A_214 : i32
      %add3A_216 = arith.addi %mul3A_2, %mul3A_215 : i32
      %dma_wait3A_217 = arith.constant 0 : i32
      %dma_wait3A_218 = arith.constant 0 : i32
      %dma_wait3A_219 = arith.constant 0 : i32
      %dma_wait3A_220 = tpu.memref_slice %arg6[%dma_wait3A_217, %dma_wait3A_218, %dma_wait3A_219] : memref<4x128x64xf32, #tpu.memory_space<vmem>> -> memref<1x128x64xf32, #tpu.memory_space<vmem>>
      %dma_wait3A_221 = tpu.memref_squeeze %dma_wait3A_220 : memref<1x128x64xf32, #tpu.memory_space<vmem>> -> memref<128x64xf32, #tpu.memory_space<vmem>>
      %dma_wait3A_222 = arith.constant 0 : i32
      %dma_wait3A_223 = tpu.memref_slice %arg4[%add3A_216, %dma_wait3A_222] : memref<819200x64xf32, #tpu.memory_space<hbm>> -> memref<128x64xf32, #tpu.memory_space<hbm>>
      %dma_wait3A_224 = arith.constant 0 : i32
      %dma_wait3A_225 = tpu.memref_slice %arg4[%add3A_216, %dma_wait3A_224] : memref<819200x64xf32, #tpu.memory_space<hbm>> -> memref<128x64xf32, #tpu.memory_space<hbm>>
      %dma_wait3A_226 = arith.constant 0 : i32
      %dma_wait3A_227 = arith.constant 0 : i32
      %dma_wait3A_228 = tpu.memref_slice %arg6[%dma_wait3A_217, %dma_wait3A_226, %dma_wait3A_227] : memref<4x128x64xf32, #tpu.memory_space<vmem>> -> memref<1x128x64xf32, #tpu.memory_space<vmem>>
      %dma_wait3A_229 = tpu.memref_squeeze %dma_wait3A_228 : memref<1x128x64xf32, #tpu.memory_space<vmem>> -> memref<128x64xf32, #tpu.memory_space<vmem>>
      tpu.wait_dma2 semaphore(%arg12 : memref<!tpu.dma_semaphore, #tpu.memory_space<semaphore_mem>>) src(%dma_wait3A_229 : memref<128x64xf32, #tpu.memory_space<vmem>>) dst(%dma_wait3A_225 : memref<128x64xf32, #tpu.memory_space<hbm>>)
      %mul3A_230 = arith.constant 128 : i32
      %mul3A_231 = arith.muli %add3A_212, %mul3A_230 : i32
      %dma_start3A_232 = arith.constant 0 : i32
      %dma_start3A_233 = arith.constant 0 : i32
      %dma_start3A_234 = arith.constant 0 : i32
      %dma_start3A_235 = tpu.memref_slice %arg6[%dma_start3A_232, %dma_start3A_233, %dma_start3A_234] : memref<4x128x64xf32, #tpu.memory_space<vmem>> -> memref<1x128x64xf32, #tpu.memory_space<vmem>>
      %dma_start3A_236 = tpu.memref_squeeze %dma_start3A_235 : memref<1x128x64xf32, #tpu.memory_space<vmem>> -> memref<128x64xf32, #tpu.memory_space<vmem>>
      %dma_start3A_237 = tpu.memref_slice %arg5[%mul3A_231] : memref<25600xi32, #tpu.memory_space<vmem>> -> memref<128xi32, #tpu.memory_space<vmem>>
      %dma_start3A_238 = arith.constant 0 : i32
      %dma_start3A_239 = arith.constant 0 : i32
      %dma_start3A_240 = tpu.memref_slice %arg7[%dma_start3A_238, %dma_start3A_239] : memref<32x64xf32, #tpu.memory_space<vmem_shared>> -> memref<32x64xf32, #tpu.memory_space<vmem_shared>>
      tpu.enqueue_indirect_dma source(%dma_start3A_240 : memref<32x64xf32, #tpu.memory_space<vmem_shared>>) target(%dma_start3A_236 : memref<128x64xf32, #tpu.memory_space<vmem>>) offsets(%dma_start3A_237 : memref<128xi32, #tpu.memory_space<vmem>>) semaphore(%arg8 : memref<!tpu.dma_semaphore, #tpu.memory_space<semaphore_mem>>)
      %sub3A_241 = arith.constant 2 : i32
      %sub3A_242 = arith.subi %add3A_212, %sub3A_241 : i32
      %mul3A_243 = arith.constant 128 : i32
      %mul3A_244 = arith.muli %sub3A_242, %mul3A_243 : i32
      %dma_wait3A_245 = arith.constant 2 : i32
      %dma_wait3A_246 = arith.constant 0 : i32
      %dma_wait3A_247 = arith.constant 0 : i32
      %dma_wait3A_248 = tpu.memref_slice %arg6[%dma_wait3A_245, %dma_wait3A_246, %dma_wait3A_247] : memref<4x128x64xf32, #tpu.memory_space<vmem>> -> memref<1x128x64xf32, #tpu.memory_space<vmem>>
      %dma_wait3A_249 = tpu.memref_squeeze %dma_wait3A_248 : memref<1x128x64xf32, #tpu.memory_space<vmem>> -> memref<128x64xf32, #tpu.memory_space<vmem>>
      %dma_wait3A_250 = tpu.memref_slice %arg5[%mul3A_244] : memref<25600xi32, #tpu.memory_space<vmem>> -> memref<128xi32, #tpu.memory_space<vmem>>
      %dma_wait3A_251 = arith.constant 0 : i32
      %dma_wait3A_252 = arith.constant 0 : i32
      %dma_wait3A_253 = tpu.memref_slice %arg7[%dma_wait3A_251, %dma_wait3A_252] : memref<32x64xf32, #tpu.memory_space<vmem_shared>> -> memref<32x64xf32, #tpu.memory_space<vmem_shared>>
      tpu.wait_indirect_dma semaphore(%arg10 : memref<!tpu.dma_semaphore, #tpu.memory_space<semaphore_mem>>) src(%dma_wait3A_253 : memref<32x64xf32, #tpu.memory_space<vmem_shared>>) dst(%dma_wait3A_249 : memref<128x64xf32, #tpu.memory_space<vmem>>)
      %mul3A_254 = arith.constant 128 : i32
      %mul3A_255 = arith.muli %sub3A_242, %mul3A_254 : i32
      %add3A_256 = arith.addi %mul3A_2, %mul3A_255 : i32
      %dma_start3A_257 = arith.constant 2 : i32
      %dma_start3A_258 = arith.constant 0 : i32
      %dma_start3A_259 = arith.constant 0 : i32
      %dma_start3A_260 = tpu.memref_slice %arg6[%dma_start3A_257, %dma_start3A_258, %dma_start3A_259] : memref<4x128x64xf32, #tpu.memory_space<vmem>> -> memref<1x128x64xf32, #tpu.memory_space<vmem>>
      %dma_start3A_261 = tpu.memref_squeeze %dma_start3A_260 : memref<1x128x64xf32, #tpu.memory_space<vmem>> -> memref<128x64xf32, #tpu.memory_space<vmem>>
      %dma_start3A_262 = arith.constant 0 : i32
      %dma_start3A_263 = tpu.memref_slice %arg4[%add3A_256, %dma_start3A_262] : memref<819200x64xf32, #tpu.memory_space<hbm>> -> memref<128x64xf32, #tpu.memory_space<hbm>>
      %dma_start3A_264 = arith.constant 0 : i32
      %dma_start3A_265 = tpu.memref_slice %arg4[%add3A_256, %dma_start3A_264] : memref<819200x64xf32, #tpu.memory_space<hbm>> -> memref<128x64xf32, #tpu.memory_space<hbm>>
      %dma_start3A_266 = arith.constant 0 : i32
      %dma_start3A_267 = arith.constant 0 : i32
      %dma_start3A_268 = tpu.memref_slice %arg6[%dma_start3A_257, %dma_start3A_266, %dma_start3A_267] : memref<4x128x64xf32, #tpu.memory_space<vmem>> -> memref<1x128x64xf32, #tpu.memory_space<vmem>>
      %dma_start3A_269 = tpu.memref_squeeze %dma_start3A_268 : memref<1x128x64xf32, #tpu.memory_space<vmem>> -> memref<128x64xf32, #tpu.memory_space<vmem>>
      tpu.enqueue_dma source(%dma_start3A_269 : memref<128x64xf32, #tpu.memory_space<vmem>>) target(%dma_start3A_265 : memref<128x64xf32, #tpu.memory_space<hbm>>) target_semaphore(%arg14 : memref<!tpu.dma_semaphore, #tpu.memory_space<semaphore_mem>>)
      %add3A_270 = arith.constant 1 : i32
      %add3A_271 = arith.addi %mul3A_210, %add3A_270 : i32
      %sub3A_272 = arith.constant 4 : i32
      %sub3A_273 = arith.subi %add3A_271, %sub3A_272 : i32
      %mul3A_274 = arith.constant 128 : i32
      %mul3A_275 = arith.muli %sub3A_273, %mul3A_274 : i32
      %add3A_276 = arith.addi %mul3A_2, %mul3A_275 : i32
      %dma_wait3A_277 = arith.constant 1 : i32
      %dma_wait3A_278 = arith.constant 0 : i32
      %dma_wait3A_279 = arith.constant 0 : i32
      %dma_wait3A_280 = tpu.memref_slice %arg6[%dma_wait3A_277, %dma_wait3A_278, %dma_wait3A_279] : memref<4x128x64xf32, #tpu.memory_space<vmem>> -> memref<1x128x64xf32, #tpu.memory_space<vmem>>
      %dma_wait3A_281 = tpu.memref_squeeze %dma_wait3A_280 : memref<1x128x64xf32, #tpu.memory_space<vmem>> -> memref<128x64xf32, #tpu.memory_space<vmem>>
      %dma_wait3A_282 = arith.constant 0 : i32
      %dma_wait3A_283 = tpu.memref_slice %arg4[%add3A_276, %dma_wait3A_282] : memref<819200x64xf32, #tpu.memory_space<hbm>> -> memref<128x64xf32, #tpu.memory_space<hbm>>
      %dma_wait3A_284 = arith.constant 0 : i32
      %dma_wait3A_285 = tpu.memref_slice %arg4[%add3A_276, %dma_wait3A_284] : memref<819200x64xf32, #tpu.memory_space<hbm>> -> memref<128x64xf32, #tpu.memory_space<hbm>>
      %dma_wait3A_286 = arith.constant 0 : i32
      %dma_wait3A_287 = arith.constant 0 : i32
      %dma_wait3A_288 = tpu.memref_slice %arg6[%dma_wait3A_277, %dma_wait3A_286, %dma_wait3A_287] : memref<4x128x64xf32, #tpu.memory_space<vmem>> -> memref<1x128x64xf32, #tpu.memory_space<vmem>>
      %dma_wait3A_289 = tpu.memref_squeeze %dma_wait3A_288 : memref<1x128x64xf32, #tpu.memory_space<vmem>> -> memref<128x64xf32, #tpu.memory_space<vmem>>
      tpu.wait_dma2 semaphore(%arg13 : memref<!tpu.dma_semaphore, #tpu.memory_space<semaphore_mem>>) src(%dma_wait3A_289 : memref<128x64xf32, #tpu.memory_space<vmem>>) dst(%dma_wait3A_285 : memref<128x64xf32, #tpu.memory_space<hbm>>)
      %mul3A_290 = arith.constant 128 : i32
      %mul3A_291 = arith.muli %add3A_271, %mul3A_290 : i32
      %dma_start3A_292 = arith.constant 1 : i32
      %dma_start3A_293 = arith.constant 0 : i32
      %dma_start3A_294 = arith.constant 0 : i32
      %dma_start3A_295 = tpu.memref_slice %arg6[%dma_start3A_292, %dma_start3A_293, %dma_start3A_294] : memref<4x128x64xf32, #tpu.memory_space<vmem>> -> memref<1x128x64xf32, #tpu.memory_space<vmem>>
      %dma_start3A_296 = tpu.memref_squeeze %dma_start3A_295 : memref<1x128x64xf32, #tpu.memory_space<vmem>> -> memref<128x64xf32, #tpu.memory_space<vmem>>
      %dma_start3A_297 = tpu.memref_slice %arg5[%mul3A_291] : memref<25600xi32, #tpu.memory_space<vmem>> -> memref<128xi32, #tpu.memory_space<vmem>>
      %dma_start3A_298 = arith.constant 0 : i32
      %dma_start3A_299 = arith.constant 0 : i32
      %dma_start3A_300 = tpu.memref_slice %arg7[%dma_start3A_298, %dma_start3A_299] : memref<32x64xf32, #tpu.memory_space<vmem_shared>> -> memref<32x64xf32, #tpu.memory_space<vmem_shared>>
      tpu.enqueue_indirect_dma source(%dma_start3A_300 : memref<32x64xf32, #tpu.memory_space<vmem_shared>>) target(%dma_start3A_296 : memref<128x64xf32, #tpu.memory_space<vmem>>) offsets(%dma_start3A_297 : memref<128xi32, #tpu.memory_space<vmem>>) semaphore(%arg9 : memref<!tpu.dma_semaphore, #tpu.memory_space<semaphore_mem>>)
      %sub3A_301 = arith.constant 2 : i32
      %sub3A_302 = arith.subi %add3A_271, %sub3A_301 : i32
      %mul3A_303 = arith.constant 128 : i32
      %mul3A_304 = arith.muli %sub3A_302, %mul3A_303 : i32
      %dma_wait3A_305 = arith.constant 3 : i32
      %dma_wait3A_306 = arith.constant 0 : i32
      %dma_wait3A_307 = arith.constant 0 : i32
      %dma_wait3A_308 = tpu.memref_slice %arg6[%dma_wait3A_305, %dma_wait3A_306, %dma_wait3A_307] : memref<4x128x64xf32, #tpu.memory_space<vmem>> -> memref<1x128x64xf32, #tpu.memory_space<vmem>>
      %dma_wait3A_309 = tpu.memref_squeeze %dma_wait3A_308 : memref<1x128x64xf32, #tpu.memory_space<vmem>> -> memref<128x64xf32, #tpu.memory_space<vmem>>
      %dma_wait3A_310 = tpu.memref_slice %arg5[%mul3A_304] : memref<25600xi32, #tpu.memory_space<vmem>> -> memref<128xi32, #tpu.memory_space<vmem>>
      %dma_wait3A_311 = arith.constant 0 : i32
      %dma_wait3A_312 = arith.constant 0 : i32
      %dma_wait3A_313 = tpu.memref_slice %arg7[%dma_wait3A_311, %dma_wait3A_312] : memref<32x64xf32, #tpu.memory_space<vmem_shared>> -> memref<32x64xf32, #tpu.memory_space<vmem_shared>>
      tpu.wait_indirect_dma semaphore(%arg11 : memref<!tpu.dma_semaphore, #tpu.memory_space<semaphore_mem>>) src(%dma_wait3A_313 : memref<32x64xf32, #tpu.memory_space<vmem_shared>>) dst(%dma_wait3A_309 : memref<128x64xf32, #tpu.memory_space<vmem>>)
      %mul3A_314 = arith.constant 128 : i32
      %mul3A_315 = arith.muli %sub3A_302, %mul3A_314 : i32
      %add3A_316 = arith.addi %mul3A_2, %mul3A_315 : i32
      %dma_start3A_317 = arith.constant 3 : i32
      %dma_start3A_318 = arith.constant 0 : i32
      %dma_start3A_319 = arith.constant 0 : i32
      %dma_start3A_320 = tpu.memref_slice %arg6[%dma_start3A_317, %dma_start3A_318, %dma_start3A_319] : memref<4x128x64xf32, #tpu.memory_space<vmem>> -> memref<1x128x64xf32, #tpu.memory_space<vmem>>
      %dma_start3A_321 = tpu.memref_squeeze %dma_start3A_320 : memref<1x128x64xf32, #tpu.memory_space<vmem>> -> memref<128x64xf32, #tpu.memory_space<vmem>>
      %dma_start3A_322 = arith.constant 0 : i32
      %dma_start3A_323 = tpu.memref_slice %arg4[%add3A_316, %dma_start3A_322] : memref<819200x64xf32, #tpu.memory_space<hbm>> -> memref<128x64xf32, #tpu.memory_space<hbm>>
      %dma_start3A_324 = arith.constant 0 : i32
      %dma_start3A_325 = tpu.memref_slice %arg4[%add3A_316, %dma_start3A_324] : memref<819200x64xf32, #tpu.memory_space<hbm>> -> memref<128x64xf32, #tpu.memory_space<hbm>>
      %dma_start3A_326 = arith.constant 0 : i32
      %dma_start3A_327 = arith.constant 0 : i32
      %dma_start3A_328 = tpu.memref_slice %arg6[%dma_start3A_317, %dma_start3A_326, %dma_start3A_327] : memref<4x128x64xf32, #tpu.memory_space<vmem>> -> memref<1x128x64xf32, #tpu.memory_space<vmem>>
      %dma_start3A_329 = tpu.memref_squeeze %dma_start3A_328 : memref<1x128x64xf32, #tpu.memory_space<vmem>> -> memref<128x64xf32, #tpu.memory_space<vmem>>
      tpu.enqueue_dma source(%dma_start3A_329 : memref<128x64xf32, #tpu.memory_space<vmem>>) target(%dma_start3A_325 : memref<128x64xf32, #tpu.memory_space<hbm>>) target_semaphore(%arg15 : memref<!tpu.dma_semaphore, #tpu.memory_space<semaphore_mem>>)
      %add3A_330 = arith.constant 2 : i32
      %add3A_331 = arith.addi %mul3A_210, %add3A_330 : i32
      %sub3A_332 = arith.constant 4 : i32
      %sub3A_333 = arith.subi %add3A_331, %sub3A_332 : i32
      %mul3A_334 = arith.constant 128 : i32
      %mul3A_335 = arith.muli %sub3A_333, %mul3A_334 : i32
      %add3A_336 = arith.addi %mul3A_2, %mul3A_335 : i32
      %dma_wait3A_337 = arith.constant 2 : i32
      %dma_wait3A_338 = arith.constant 0 : i32
      %dma_wait3A_339 = arith.constant 0 : i32
      %dma_wait3A_340 = tpu.memref_slice %arg6[%dma_wait3A_337, %dma_wait3A_338, %dma_wait3A_339] : memref<4x128x64xf32, #tpu.memory_space<vmem>> -> memref<1x128x64xf32, #tpu.memory_space<vmem>>
      %dma_wait3A_341 = tpu.memref_squeeze %dma_wait3A_340 : memref<1x128x64xf32, #tpu.memory_space<vmem>> -> memref<128x64xf32, #tpu.memory_space<vmem>>
      %dma_wait3A_342 = arith.constant 0 : i32
      %dma_wait3A_343 = tpu.memref_slice %arg4[%add3A_336, %dma_wait3A_342] : memref<819200x64xf32, #tpu.memory_space<hbm>> -> memref<128x64xf32, #tpu.memory_space<hbm>>
      %dma_wait3A_344 = arith.constant 0 : i32
      %dma_wait3A_345 = tpu.memref_slice %arg4[%add3A_336, %dma_wait3A_344] : memref<819200x64xf32, #tpu.memory_space<hbm>> -> memref<128x64xf32, #tpu.memory_space<hbm>>
      %dma_wait3A_346 = arith.constant 0 : i32
      %dma_wait3A_347 = arith.constant 0 : i32
      %dma_wait3A_348 = tpu.memref_slice %arg6[%dma_wait3A_337, %dma_wait3A_346, %dma_wait3A_347] : memref<4x128x64xf32, #tpu.memory_space<vmem>> -> memref<1x128x64xf32, #tpu.memory_space<vmem>>
      %dma_wait3A_349 = tpu.memref_squeeze %dma_wait3A_348 : memref<1x128x64xf32, #tpu.memory_space<vmem>> -> memref<128x64xf32, #tpu.memory_space<vmem>>
      tpu.wait_dma2 semaphore(%arg14 : memref<!tpu.dma_semaphore, #tpu.memory_space<semaphore_mem>>) src(%dma_wait3A_349 : memref<128x64xf32, #tpu.memory_space<vmem>>) dst(%dma_wait3A_345 : memref<128x64xf32, #tpu.memory_space<hbm>>)
      %mul3A_350 = arith.constant 128 : i32
      %mul3A_351 = arith.muli %add3A_331, %mul3A_350 : i32
      %dma_start3A_352 = arith.constant 2 : i32
      %dma_start3A_353 = arith.constant 0 : i32
      %dma_start3A_354 = arith.constant 0 : i32
      %dma_start3A_355 = tpu.memref_slice %arg6[%dma_start3A_352, %dma_start3A_353, %dma_start3A_354] : memref<4x128x64xf32, #tpu.memory_space<vmem>> -> memref<1x128x64xf32, #tpu.memory_space<vmem>>
      %dma_start3A_356 = tpu.memref_squeeze %dma_start3A_355 : memref<1x128x64xf32, #tpu.memory_space<vmem>> -> memref<128x64xf32, #tpu.memory_space<vmem>>
      %dma_start3A_357 = tpu.memref_slice %arg5[%mul3A_351] : memref<25600xi32, #tpu.memory_space<vmem>> -> memref<128xi32, #tpu.memory_space<vmem>>
      %dma_start3A_358 = arith.constant 0 : i32
      %dma_start3A_359 = arith.constant 0 : i32
      %dma_start3A_360 = tpu.memref_slice %arg7[%dma_start3A_358, %dma_start3A_359] : memref<32x64xf32, #tpu.memory_space<vmem_shared>> -> memref<32x64xf32, #tpu.memory_space<vmem_shared>>
      tpu.enqueue_indirect_dma source(%dma_start3A_360 : memref<32x64xf32, #tpu.memory_space<vmem_shared>>) target(%dma_start3A_356 : memref<128x64xf32, #tpu.memory_space<vmem>>) offsets(%dma_start3A_357 : memref<128xi32, #tpu.memory_space<vmem>>) semaphore(%arg10 : memref<!tpu.dma_semaphore, #tpu.memory_space<semaphore_mem>>)
      %sub3A_361 = arith.constant 2 : i32
      %sub3A_362 = arith.subi %add3A_331, %sub3A_361 : i32
      %mul3A_363 = arith.constant 128 : i32
      %mul3A_364 = arith.muli %sub3A_362, %mul3A_363 : i32
      %dma_wait3A_365 = arith.constant 0 : i32
      %dma_wait3A_366 = arith.constant 0 : i32
      %dma_wait3A_367 = arith.constant 0 : i32
      %dma_wait3A_368 = tpu.memref_slice %arg6[%dma_wait3A_365, %dma_wait3A_366, %dma_wait3A_367] : memref<4x128x64xf32, #tpu.memory_space<vmem>> -> memref<1x128x64xf32, #tpu.memory_space<vmem>>
      %dma_wait3A_369 = tpu.memref_squeeze %dma_wait3A_368 : memref<1x128x64xf32, #tpu.memory_space<vmem>> -> memref<128x64xf32, #tpu.memory_space<vmem>>
      %dma_wait3A_370 = tpu.memref_slice %arg5[%mul3A_364] : memref<25600xi32, #tpu.memory_space<vmem>> -> memref<128xi32, #tpu.memory_space<vmem>>
      %dma_wait3A_371 = arith.constant 0 : i32
      %dma_wait3A_372 = arith.constant 0 : i32
      %dma_wait3A_373 = tpu.memref_slice %arg7[%dma_wait3A_371, %dma_wait3A_372] : memref<32x64xf32, #tpu.memory_space<vmem_shared>> -> memref<32x64xf32, #tpu.memory_space<vmem_shared>>
      tpu.wait_indirect_dma semaphore(%arg8 : memref<!tpu.dma_semaphore, #tpu.memory_space<semaphore_mem>>) src(%dma_wait3A_373 : memref<32x64xf32, #tpu.memory_space<vmem_shared>>) dst(%dma_wait3A_369 : memref<128x64xf32, #tpu.memory_space<vmem>>)
      %mul3A_374 = arith.constant 128 : i32
      %mul3A_375 = arith.muli %sub3A_362, %mul3A_374 : i32
      %add3A_376 = arith.addi %mul3A_2, %mul3A_375 : i32
      %dma_start3A_377 = arith.constant 0 : i32
      %dma_start3A_378 = arith.constant 0 : i32
      %dma_start3A_379 = arith.constant 0 : i32
      %dma_start3A_380 = tpu.memref_slice %arg6[%dma_start3A_377, %dma_start3A_378, %dma_start3A_379] : memref<4x128x64xf32, #tpu.memory_space<vmem>> -> memref<1x128x64xf32, #tpu.memory_space<vmem>>
      %dma_start3A_381 = tpu.memref_squeeze %dma_start3A_380 : memref<1x128x64xf32, #tpu.memory_space<vmem>> -> memref<128x64xf32, #tpu.memory_space<vmem>>
      %dma_start3A_382 = arith.constant 0 : i32
      %dma_start3A_383 = tpu.memref_slice %arg4[%add3A_376, %dma_start3A_382] : memref<819200x64xf32, #tpu.memory_space<hbm>> -> memref<128x64xf32, #tpu.memory_space<hbm>>
      %dma_start3A_384 = arith.constant 0 : i32
      %dma_start3A_385 = tpu.memref_slice %arg4[%add3A_376, %dma_start3A_384] : memref<819200x64xf32, #tpu.memory_space<hbm>> -> memref<128x64xf32, #tpu.memory_space<hbm>>
      %dma_start3A_386 = arith.constant 0 : i32
      %dma_start3A_387 = arith.constant 0 : i32
      %dma_start3A_388 = tpu.memref_slice %arg6[%dma_start3A_377, %dma_start3A_386, %dma_start3A_387] : memref<4x128x64xf32, #tpu.memory_space<vmem>> -> memref<1x128x64xf32, #tpu.memory_space<vmem>>
      %dma_start3A_389 = tpu.memref_squeeze %dma_start3A_388 : memref<1x128x64xf32, #tpu.memory_space<vmem>> -> memref<128x64xf32, #tpu.memory_space<vmem>>
      tpu.enqueue_dma source(%dma_start3A_389 : memref<128x64xf32, #tpu.memory_space<vmem>>) target(%dma_start3A_385 : memref<128x64xf32, #tpu.memory_space<hbm>>) target_semaphore(%arg12 : memref<!tpu.dma_semaphore, #tpu.memory_space<semaphore_mem>>)
      %add3A_390 = arith.constant 3 : i32
      %add3A_391 = arith.addi %mul3A_210, %add3A_390 : i32
      %sub3A_392 = arith.constant 4 : i32
      %sub3A_393 = arith.subi %add3A_391, %sub3A_392 : i32
      %mul3A_394 = arith.constant 128 : i32
      %mul3A_395 = arith.muli %sub3A_393, %mul3A_394 : i32
      %add3A_396 = arith.addi %mul3A_2, %mul3A_395 : i32
      %dma_wait3A_397 = arith.constant 3 : i32
      %dma_wait3A_398 = arith.constant 0 : i32
      %dma_wait3A_399 = arith.constant 0 : i32
      %dma_wait3A_400 = tpu.memref_slice %arg6[%dma_wait3A_397, %dma_wait3A_398, %dma_wait3A_399] : memref<4x128x64xf32, #tpu.memory_space<vmem>> -> memref<1x128x64xf32, #tpu.memory_space<vmem>>
      %dma_wait3A_401 = tpu.memref_squeeze %dma_wait3A_400 : memref<1x128x64xf32, #tpu.memory_space<vmem>> -> memref<128x64xf32, #tpu.memory_space<vmem>>
      %dma_wait3A_402 = arith.constant 0 : i32
      %dma_wait3A_403 = tpu.memref_slice %arg4[%add3A_396, %dma_wait3A_402] : memref<819200x64xf32, #tpu.memory_space<hbm>> -> memref<128x64xf32, #tpu.memory_space<hbm>>
      %dma_wait3A_404 = arith.constant 0 : i32
      %dma_wait3A_405 = tpu.memref_slice %arg4[%add3A_396, %dma_wait3A_404] : memref<819200x64xf32, #tpu.memory_space<hbm>> -> memref<128x64xf32, #tpu.memory_space<hbm>>
      %dma_wait3A_406 = arith.constant 0 : i32
      %dma_wait3A_407 = arith.constant 0 : i32
      %dma_wait3A_408 = tpu.memref_slice %arg6[%dma_wait3A_397, %dma_wait3A_406, %dma_wait3A_407] : memref<4x128x64xf32, #tpu.memory_space<vmem>> -> memref<1x128x64xf32, #tpu.memory_space<vmem>>
      %dma_wait3A_409 = tpu.memref_squeeze %dma_wait3A_408 : memref<1x128x64xf32, #tpu.memory_space<vmem>> -> memref<128x64xf32, #tpu.memory_space<vmem>>
      tpu.wait_dma2 semaphore(%arg15 : memref<!tpu.dma_semaphore, #tpu.memory_space<semaphore_mem>>) src(%dma_wait3A_409 : memref<128x64xf32, #tpu.memory_space<vmem>>) dst(%dma_wait3A_405 : memref<128x64xf32, #tpu.memory_space<hbm>>)
      %mul3A_410 = arith.constant 128 : i32
      %mul3A_411 = arith.muli %add3A_391, %mul3A_410 : i32
      %dma_start3A_412 = arith.constant 3 : i32
      %dma_start3A_413 = arith.constant 0 : i32
      %dma_start3A_414 = arith.constant 0 : i32
      %dma_start3A_415 = tpu.memref_slice %arg6[%dma_start3A_412, %dma_start3A_413, %dma_start3A_414] : memref<4x128x64xf32, #tpu.memory_space<vmem>> -> memref<1x128x64xf32, #tpu.memory_space<vmem>>
      %dma_start3A_416 = tpu.memref_squeeze %dma_start3A_415 : memref<1x128x64xf32, #tpu.memory_space<vmem>> -> memref<128x64xf32, #tpu.memory_space<vmem>>
      %dma_start3A_417 = tpu.memref_slice %arg5[%mul3A_411] : memref<25600xi32, #tpu.memory_space<vmem>> -> memref<128xi32, #tpu.memory_space<vmem>>
      %dma_start3A_418 = arith.constant 0 : i32
      %dma_start3A_419 = arith.constant 0 : i32
      %dma_start3A_420 = tpu.memref_slice %arg7[%dma_start3A_418, %dma_start3A_419] : memref<32x64xf32, #tpu.memory_space<vmem_shared>> -> memref<32x64xf32, #tpu.memory_space<vmem_shared>>
      tpu.enqueue_indirect_dma source(%dma_start3A_420 : memref<32x64xf32, #tpu.memory_space<vmem_shared>>) target(%dma_start3A_416 : memref<128x64xf32, #tpu.memory_space<vmem>>) offsets(%dma_start3A_417 : memref<128xi32, #tpu.memory_space<vmem>>) semaphore(%arg11 : memref<!tpu.dma_semaphore, #tpu.memory_space<semaphore_mem>>)
      %sub3A_421 = arith.constant 2 : i32
      %sub3A_422 = arith.subi %add3A_391, %sub3A_421 : i32
      %mul3A_423 = arith.constant 128 : i32
      %mul3A_424 = arith.muli %sub3A_422, %mul3A_423 : i32
      %dma_wait3A_425 = arith.constant 1 : i32
      %dma_wait3A_426 = arith.constant 0 : i32
      %dma_wait3A_427 = arith.constant 0 : i32
      %dma_wait3A_428 = tpu.memref_slice %arg6[%dma_wait3A_425, %dma_wait3A_426, %dma_wait3A_427] : memref<4x128x64xf32, #tpu.memory_space<vmem>> -> memref<1x128x64xf32, #tpu.memory_space<vmem>>
      %dma_wait3A_429 = tpu.memref_squeeze %dma_wait3A_428 : memref<1x128x64xf32, #tpu.memory_space<vmem>> -> memref<128x64xf32, #tpu.memory_space<vmem>>
      %dma_wait3A_430 = tpu.memref_slice %arg5[%mul3A_424] : memref<25600xi32, #tpu.memory_space<vmem>> -> memref<128xi32, #tpu.memory_space<vmem>>
      %dma_wait3A_431 = arith.constant 0 : i32
      %dma_wait3A_432 = arith.constant 0 : i32
      %dma_wait3A_433 = tpu.memref_slice %arg7[%dma_wait3A_431, %dma_wait3A_432] : memref<32x64xf32, #tpu.memory_space<vmem_shared>> -> memref<32x64xf32, #tpu.memory_space<vmem_shared>>
      tpu.wait_indirect_dma semaphore(%arg9 : memref<!tpu.dma_semaphore, #tpu.memory_space<semaphore_mem>>) src(%dma_wait3A_433 : memref<32x64xf32, #tpu.memory_space<vmem_shared>>) dst(%dma_wait3A_429 : memref<128x64xf32, #tpu.memory_space<vmem>>)
      %mul3A_434 = arith.constant 128 : i32
      %mul3A_435 = arith.muli %sub3A_422, %mul3A_434 : i32
      %add3A_436 = arith.addi %mul3A_2, %mul3A_435 : i32
      %dma_start3A_437 = arith.constant 1 : i32
      %dma_start3A_438 = arith.constant 0 : i32
      %dma_start3A_439 = arith.constant 0 : i32
      %dma_start3A_440 = tpu.memref_slice %arg6[%dma_start3A_437, %dma_start3A_438, %dma_start3A_439] : memref<4x128x64xf32, #tpu.memory_space<vmem>> -> memref<1x128x64xf32, #tpu.memory_space<vmem>>
      %dma_start3A_441 = tpu.memref_squeeze %dma_start3A_440 : memref<1x128x64xf32, #tpu.memory_space<vmem>> -> memref<128x64xf32, #tpu.memory_space<vmem>>
      %dma_start3A_442 = arith.constant 0 : i32
      %dma_start3A_443 = tpu.memref_slice %arg4[%add3A_436, %dma_start3A_442] : memref<819200x64xf32, #tpu.memory_space<hbm>> -> memref<128x64xf32, #tpu.memory_space<hbm>>
      %dma_start3A_444 = arith.constant 0 : i32
      %dma_start3A_445 = tpu.memref_slice %arg4[%add3A_436, %dma_start3A_444] : memref<819200x64xf32, #tpu.memory_space<hbm>> -> memref<128x64xf32, #tpu.memory_space<hbm>>
      %dma_start3A_446 = arith.constant 0 : i32
      %dma_start3A_447 = arith.constant 0 : i32
      %dma_start3A_448 = tpu.memref_slice %arg6[%dma_start3A_437, %dma_start3A_446, %dma_start3A_447] : memref<4x128x64xf32, #tpu.memory_space<vmem>> -> memref<1x128x64xf32, #tpu.memory_space<vmem>>
      %dma_start3A_449 = tpu.memref_squeeze %dma_start3A_448 : memref<1x128x64xf32, #tpu.memory_space<vmem>> -> memref<128x64xf32, #tpu.memory_space<vmem>>
      tpu.enqueue_dma source(%dma_start3A_449 : memref<128x64xf32, #tpu.memory_space<vmem>>) target(%dma_start3A_445 : memref<128x64xf32, #tpu.memory_space<hbm>>) target_semaphore(%arg13 : memref<!tpu.dma_semaphore, #tpu.memory_space<semaphore_mem>>)
    }
    %scan3A_97 = arith.constant 49 : i32
    %dma_wait3A_98 = arith.constant 2 : i32
    %dma_wait3A_99 = arith.constant 0 : i32
    %dma_wait3A_100 = arith.constant 0 : i32
    %dma_wait3A_101 = tpu.memref_slice %arg6[%dma_wait3A_98, %dma_wait3A_99, %dma_wait3A_100] : memref<4x128x64xf32, #tpu.memory_space<vmem>> -> memref<1x128x64xf32, #tpu.memory_space<vmem>>
    %dma_wait3A_102 = tpu.memref_squeeze %dma_wait3A_101 : memref<1x128x64xf32, #tpu.memory_space<vmem>> -> memref<128x64xf32, #tpu.memory_space<vmem>>
    %dma_wait3A_103 = arith.constant 25344 : i32
    %dma_wait3A_104 = tpu.memref_slice %arg5[%dma_wait3A_103] : memref<25600xi32, #tpu.memory_space<vmem>> -> memref<128xi32, #tpu.memory_space<vmem>>
    %dma_wait3A_105 = arith.constant 0 : i32
    %dma_wait3A_106 = arith.constant 0 : i32
    %dma_wait3A_107 = tpu.memref_slice %arg7[%dma_wait3A_105, %dma_wait3A_106] : memref<32x64xf32, #tpu.memory_space<vmem_shared>> -> memref<32x64xf32, #tpu.memory_space<vmem_shared>>
    tpu.wait_indirect_dma semaphore(%arg10 : memref<!tpu.dma_semaphore, #tpu.memory_space<semaphore_mem>>) src(%dma_wait3A_107 : memref<32x64xf32, #tpu.memory_space<vmem_shared>>) dst(%dma_wait3A_102 : memref<128x64xf32, #tpu.memory_space<vmem>>)
    %add3A_108 = arith.constant 25344 : i32
    %add3A_109 = arith.addi %mul3A_2, %add3A_108 : i32
    %dma_start3A_110 = arith.constant 2 : i32
    %dma_start3A_111 = arith.constant 0 : i32
    %dma_start3A_112 = arith.constant 0 : i32
    %dma_start3A_113 = tpu.memref_slice %arg6[%dma_start3A_110, %dma_start3A_111, %dma_start3A_112] : memref<4x128x64xf32, #tpu.memory_space<vmem>> -> memref<1x128x64xf32, #tpu.memory_space<vmem>>
    %dma_start3A_114 = tpu.memref_squeeze %dma_start3A_113 : memref<1x128x64xf32, #tpu.memory_space<vmem>> -> memref<128x64xf32, #tpu.memory_space<vmem>>
    %dma_start3A_115 = arith.constant 0 : i32
    %dma_start3A_116 = tpu.memref_slice %arg4[%add3A_109, %dma_start3A_115] : memref<819200x64xf32, #tpu.memory_space<hbm>> -> memref<128x64xf32, #tpu.memory_space<hbm>>
    %dma_start3A_117 = arith.constant 0 : i32
    %dma_start3A_118 = tpu.memref_slice %arg4[%add3A_109, %dma_start3A_117] : memref<819200x64xf32, #tpu.memory_space<hbm>> -> memref<128x64xf32, #tpu.memory_space<hbm>>
    %dma_start3A_119 = arith.constant 0 : i32
    %dma_start3A_120 = arith.constant 0 : i32
    %dma_start3A_121 = tpu.memref_slice %arg6[%dma_start3A_110, %dma_start3A_119, %dma_start3A_120] : memref<4x128x64xf32, #tpu.memory_space<vmem>> -> memref<1x128x64xf32, #tpu.memory_space<vmem>>
    %dma_start3A_122 = tpu.memref_squeeze %dma_start3A_121 : memref<1x128x64xf32, #tpu.memory_space<vmem>> -> memref<128x64xf32, #tpu.memory_space<vmem>>
    tpu.enqueue_dma source(%dma_start3A_122 : memref<128x64xf32, #tpu.memory_space<vmem>>) target(%dma_start3A_118 : memref<128x64xf32, #tpu.memory_space<hbm>>) target_semaphore(%arg14 : memref<!tpu.dma_semaphore, #tpu.memory_space<semaphore_mem>>)
    %dma_wait3A_123 = arith.constant 3 : i32
    %dma_wait3A_124 = arith.constant 0 : i32
    %dma_wait3A_125 = arith.constant 0 : i32
    %dma_wait3A_126 = tpu.memref_slice %arg6[%dma_wait3A_123, %dma_wait3A_124, %dma_wait3A_125] : memref<4x128x64xf32, #tpu.memory_space<vmem>> -> memref<1x128x64xf32, #tpu.memory_space<vmem>>
    %dma_wait3A_127 = tpu.memref_squeeze %dma_wait3A_126 : memref<1x128x64xf32, #tpu.memory_space<vmem>> -> memref<128x64xf32, #tpu.memory_space<vmem>>
    %dma_wait3A_128 = arith.constant 25472 : i32
    %dma_wait3A_129 = tpu.memref_slice %arg5[%dma_wait3A_128] : memref<25600xi32, #tpu.memory_space<vmem>> -> memref<128xi32, #tpu.memory_space<vmem>>
    %dma_wait3A_130 = arith.constant 0 : i32
    %dma_wait3A_131 = arith.constant 0 : i32
    %dma_wait3A_132 = tpu.memref_slice %arg7[%dma_wait3A_130, %dma_wait3A_131] : memref<32x64xf32, #tpu.memory_space<vmem_shared>> -> memref<32x64xf32, #tpu.memory_space<vmem_shared>>
    tpu.wait_indirect_dma semaphore(%arg11 : memref<!tpu.dma_semaphore, #tpu.memory_space<semaphore_mem>>) src(%dma_wait3A_132 : memref<32x64xf32, #tpu.memory_space<vmem_shared>>) dst(%dma_wait3A_127 : memref<128x64xf32, #tpu.memory_space<vmem>>)
    %add3A_133 = arith.constant 25472 : i32
    %add3A_134 = arith.addi %mul3A_2, %add3A_133 : i32
    %dma_start3A_135 = arith.constant 3 : i32
    %dma_start3A_136 = arith.constant 0 : i32
    %dma_start3A_137 = arith.constant 0 : i32
    %dma_start3A_138 = tpu.memref_slice %arg6[%dma_start3A_135, %dma_start3A_136, %dma_start3A_137] : memref<4x128x64xf32, #tpu.memory_space<vmem>> -> memref<1x128x64xf32, #tpu.memory_space<vmem>>
    %dma_start3A_139 = tpu.memref_squeeze %dma_start3A_138 : memref<1x128x64xf32, #tpu.memory_space<vmem>> -> memref<128x64xf32, #tpu.memory_space<vmem>>
    %dma_start3A_140 = arith.constant 0 : i32
    %dma_start3A_141 = tpu.memref_slice %arg4[%add3A_134, %dma_start3A_140] : memref<819200x64xf32, #tpu.memory_space<hbm>> -> memref<128x64xf32, #tpu.memory_space<hbm>>
    %dma_start3A_142 = arith.constant 0 : i32
    %dma_start3A_143 = tpu.memref_slice %arg4[%add3A_134, %dma_start3A_142] : memref<819200x64xf32, #tpu.memory_space<hbm>> -> memref<128x64xf32, #tpu.memory_space<hbm>>
    %dma_start3A_144 = arith.constant 0 : i32
    %dma_start3A_145 = arith.constant 0 : i32
    %dma_start3A_146 = tpu.memref_slice %arg6[%dma_start3A_135, %dma_start3A_144, %dma_start3A_145] : memref<4x128x64xf32, #tpu.memory_space<vmem>> -> memref<1x128x64xf32, #tpu.memory_space<vmem>>
    %dma_start3A_147 = tpu.memref_squeeze %dma_start3A_146 : memref<1x128x64xf32, #tpu.memory_space<vmem>> -> memref<128x64xf32, #tpu.memory_space<vmem>>
    tpu.enqueue_dma source(%dma_start3A_147 : memref<128x64xf32, #tpu.memory_space<vmem>>) target(%dma_start3A_143 : memref<128x64xf32, #tpu.memory_space<hbm>>) target_semaphore(%arg15 : memref<!tpu.dma_semaphore, #tpu.memory_space<semaphore_mem>>)
    %add3A_148 = arith.constant 25088 : i32
    %add3A_149 = arith.addi %mul3A_2, %add3A_148 : i32
    %dma_wait3A_150 = arith.constant 0 : i32
    %dma_wait3A_151 = arith.constant 0 : i32
    %dma_wait3A_152 = arith.constant 0 : i32
    %dma_wait3A_153 = tpu.memref_slice %arg6[%dma_wait3A_150, %dma_wait3A_151, %dma_wait3A_152] : memref<4x128x64xf32, #tpu.memory_space<vmem>> -> memref<1x128x64xf32, #tpu.memory_space<vmem>>
    %dma_wait3A_154 = tpu.memref_squeeze %dma_wait3A_153 : memref<1x128x64xf32, #tpu.memory_space<vmem>> -> memref<128x64xf32, #tpu.memory_space<vmem>>
    %dma_wait3A_155 = arith.constant 0 : i32
    %dma_wait3A_156 = tpu.memref_slice %arg4[%add3A_149, %dma_wait3A_155] : memref<819200x64xf32, #tpu.memory_space<hbm>> -> memref<128x64xf32, #tpu.memory_space<hbm>>
    %dma_wait3A_157 = arith.constant 0 : i32
    %dma_wait3A_158 = tpu.memref_slice %arg4[%add3A_149, %dma_wait3A_157] : memref<819200x64xf32, #tpu.memory_space<hbm>> -> memref<128x64xf32, #tpu.memory_space<hbm>>
    %dma_wait3A_159 = arith.constant 0 : i32
    %dma_wait3A_160 = arith.constant 0 : i32
    %dma_wait3A_161 = tpu.memref_slice %arg6[%dma_wait3A_150, %dma_wait3A_159, %dma_wait3A_160] : memref<4x128x64xf32, #tpu.memory_space<vmem>> -> memref<1x128x64xf32, #tpu.memory_space<vmem>>
    %dma_wait3A_162 = tpu.memref_squeeze %dma_wait3A_161 : memref<1x128x64xf32, #tpu.memory_space<vmem>> -> memref<128x64xf32, #tpu.memory_space<vmem>>
    tpu.wait_dma2 semaphore(%arg12 : memref<!tpu.dma_semaphore, #tpu.memory_space<semaphore_mem>>) src(%dma_wait3A_162 : memref<128x64xf32, #tpu.memory_space<vmem>>) dst(%dma_wait3A_158 : memref<128x64xf32, #tpu.memory_space<hbm>>)
    %add3A_163 = arith.constant 25216 : i32
    %add3A_164 = arith.addi %mul3A_2, %add3A_163 : i32
    %dma_wait3A_165 = arith.constant 1 : i32
    %dma_wait3A_166 = arith.constant 0 : i32
    %dma_wait3A_167 = arith.constant 0 : i32
    %dma_wait3A_168 = tpu.memref_slice %arg6[%dma_wait3A_165, %dma_wait3A_166, %dma_wait3A_167] : memref<4x128x64xf32, #tpu.memory_space<vmem>> -> memref<1x128x64xf32, #tpu.memory_space<vmem>>
    %dma_wait3A_169 = tpu.memref_squeeze %dma_wait3A_168 : memref<1x128x64xf32, #tpu.memory_space<vmem>> -> memref<128x64xf32, #tpu.memory_space<vmem>>
    %dma_wait3A_170 = arith.constant 0 : i32
    %dma_wait3A_171 = tpu.memref_slice %arg4[%add3A_164, %dma_wait3A_170] : memref<819200x64xf32, #tpu.memory_space<hbm>> -> memref<128x64xf32, #tpu.memory_space<hbm>>
    %dma_wait3A_172 = arith.constant 0 : i32
    %dma_wait3A_173 = tpu.memref_slice %arg4[%add3A_164, %dma_wait3A_172] : memref<819200x64xf32, #tpu.memory_space<hbm>> -> memref<128x64xf32, #tpu.memory_space<hbm>>
    %dma_wait3A_174 = arith.constant 0 : i32
    %dma_wait3A_175 = arith.constant 0 : i32
    %dma_wait3A_176 = tpu.memref_slice %arg6[%dma_wait3A_165, %dma_wait3A_174, %dma_wait3A_175] : memref<4x128x64xf32, #tpu.memory_space<vmem>> -> memref<1x128x64xf32, #tpu.memory_space<vmem>>
    %dma_wait3A_177 = tpu.memref_squeeze %dma_wait3A_176 : memref<1x128x64xf32, #tpu.memory_space<vmem>> -> memref<128x64xf32, #tpu.memory_space<vmem>>
    tpu.wait_dma2 semaphore(%arg13 : memref<!tpu.dma_semaphore, #tpu.memory_space<semaphore_mem>>) src(%dma_wait3A_177 : memref<128x64xf32, #tpu.memory_space<vmem>>) dst(%dma_wait3A_173 : memref<128x64xf32, #tpu.memory_space<hbm>>)
    %add3A_178 = arith.constant 25344 : i32
    %add3A_179 = arith.addi %mul3A_2, %add3A_178 : i32
    %dma_wait3A_180 = arith.constant 2 : i32
    %dma_wait3A_181 = arith.constant 0 : i32
    %dma_wait3A_182 = arith.constant 0 : i32
    %dma_wait3A_183 = tpu.memref_slice %arg6[%dma_wait3A_180, %dma_wait3A_181, %dma_wait3A_182] : memref<4x128x64xf32, #tpu.memory_space<vmem>> -> memref<1x128x64xf32, #tpu.memory_space<vmem>>
    %dma_wait3A_184 = tpu.memref_squeeze %dma_wait3A_183 : memref<1x128x64xf32, #tpu.memory_space<vmem>> -> memref<128x64xf32, #tpu.memory_space<vmem>>
    %dma_wait3A_185 = arith.constant 0 : i32
    %dma_wait3A_186 = tpu.memref_slice %arg4[%add3A_179, %dma_wait3A_185] : memref<819200x64xf32, #tpu.memory_space<hbm>> -> memref<128x64xf32, #tpu.memory_space<hbm>>
    %dma_wait3A_187 = arith.constant 0 : i32
    %dma_wait3A_188 = tpu.memref_slice %arg4[%add3A_179, %dma_wait3A_187] : memref<819200x64xf32, #tpu.memory_space<hbm>> -> memref<128x64xf32, #tpu.memory_space<hbm>>
    %dma_wait3A_189 = arith.constant 0 : i32
    %dma_wait3A_190 = arith.constant 0 : i32
    %dma_wait3A_191 = tpu.memref_slice %arg6[%dma_wait3A_180, %dma_wait3A_189, %dma_wait3A_190] : memref<4x128x64xf32, #tpu.memory_space<vmem>> -> memref<1x128x64xf32, #tpu.memory_space<vmem>>
    %dma_wait3A_192 = tpu.memref_squeeze %dma_wait3A_191 : memref<1x128x64xf32, #tpu.memory_space<vmem>> -> memref<128x64xf32, #tpu.memory_space<vmem>>
    tpu.wait_dma2 semaphore(%arg14 : memref<!tpu.dma_semaphore, #tpu.memory_space<semaphore_mem>>) src(%dma_wait3A_192 : memref<128x64xf32, #tpu.memory_space<vmem>>) dst(%dma_wait3A_188 : memref<128x64xf32, #tpu.memory_space<hbm>>)
    %add3A_193 = arith.constant 25472 : i32
    %add3A_194 = arith.addi %mul3A_2, %add3A_193 : i32
    %dma_wait3A_195 = arith.constant 3 : i32
    %dma_wait3A_196 = arith.constant 0 : i32
    %dma_wait3A_197 = arith.constant 0 : i32
    %dma_wait3A_198 = tpu.memref_slice %arg6[%dma_wait3A_195, %dma_wait3A_196, %dma_wait3A_197] : memref<4x128x64xf32, #tpu.memory_space<vmem>> -> memref<1x128x64xf32, #tpu.memory_space<vmem>>
    %dma_wait3A_199 = tpu.memref_squeeze %dma_wait3A_198 : memref<1x128x64xf32, #tpu.memory_space<vmem>> -> memref<128x64xf32, #tpu.memory_space<vmem>>
    %dma_wait3A_200 = arith.constant 0 : i32
    %dma_wait3A_201 = tpu.memref_slice %arg4[%add3A_194, %dma_wait3A_200] : memref<819200x64xf32, #tpu.memory_space<hbm>> -> memref<128x64xf32, #tpu.memory_space<hbm>>
    %dma_wait3A_202 = arith.constant 0 : i32
    %dma_wait3A_203 = tpu.memref_slice %arg4[%add3A_194, %dma_wait3A_202] : memref<819200x64xf32, #tpu.memory_space<hbm>> -> memref<128x64xf32, #tpu.memory_space<hbm>>
    %dma_wait3A_204 = arith.constant 0 : i32
    %dma_wait3A_205 = arith.constant 0 : i32
    %dma_wait3A_206 = tpu.memref_slice %arg6[%dma_wait3A_195, %dma_wait3A_204, %dma_wait3A_205] : memref<4x128x64xf32, #tpu.memory_space<vmem>> -> memref<1x128x64xf32, #tpu.memory_space<vmem>>
    %dma_wait3A_207 = tpu.memref_squeeze %dma_wait3A_206 : memref<1x128x64xf32, #tpu.memory_space<vmem>> -> memref<128x64xf32, #tpu.memory_space<vmem>>
    tpu.wait_dma2 semaphore(%arg15 : memref<!tpu.dma_semaphore, #tpu.memory_space<semaphore_mem>>) src(%dma_wait3A_207 : memref<128x64xf32, #tpu.memory_space<vmem>>) dst(%dma_wait3A_203 : memref<128x64xf32, #tpu.memory_space<hbm>>)
    return
  }
}

</mosaic_0001>

<sc_bundles>
// kernel: kernel.3.cloned.1.call-start
scs
__scs_entry_jumppad:
0x0: {  	(pc) =	sbr.rel $0x88, $3  }
0x1: {  	(tag) =	ssettag $0x0;
	lr =	simm.s32 $0x1  }
0x2: {  	[smem:$0x3F9F] =	sst lr;
	_ =	strace $0xD0000000  }
0x3: {  	_ = 	snop  }
0x4: {  	_ = 	snop  }
0x5: {  	_ = 	snop  }
0x6: {  	_ = 	snop  }
0x7: {  	_ = 	snop  }
__scs_overlays_trampoline_lowered:
0x8: {  	[smem:$0x3FAE] =	sst s0  }
0x9: {  	[smem:$0x3FAF] =	sst s1  }
0xa: {  	[smem:$0x3FB0] =	sst s2  }
0xb: {  	[smem:$0x3FB1] =	sst s3  }
0xc: {  	[smem:$0x3FB2] =	sst s4  }
0xd: {  	[smem:$0x3FB3] =	sst s5  }
0xe: {  	[smem:$0x3FB4] =	sst s6  }
0xf: {  	[smem:$0x3FB5] =	sst s7  }
0x10: {  	[smem:$0x3FB6] =	sst s8  }
0x11: {  	[smem:$0x3FB7] =	sst s9;
	s0 =	simm.s32 @!p0 $0x0  }
0x12: {  	s1 =	sld [smem:$0x3F9D];
	s0 =	simm.s32 @p0 $0x1  }
0x13: {  	[smem:$0x3FB8] =	sst s0;
	s0 =	simm.s32 @!p1 $0x0  }
0x14: {  	s2 =	sld [smem:$0x3F9C];
	s0 =	simm.s32 @p1 $0x1  }
0x15: {  	[smem:$0x3FB9] =	sst s0;
	s0 =	simm.s32 @!p2 $0x0  }
0x16: {  	s3 =	sld [smem:$0x3FDB];
	s0 =	simm.s32 @p2 $0x1  }
0x17: {  	s4 =	simm.s32 $0x1BF5;
	[smem:$0x3FBB] =	sst s0  }
0x18: {  	s0 =	sld [smem:$0x3F9E];
	_ =	swait.ge [sflag:s4], $0x0  }
0x19: {  	s7 =	sld [smem:$0x3F9F]  }
0x1a: {  	s8 =	sadd.s32 $0xFFFFE003, lr  }
0x1b: {  	s9 =	sadd.s32 $0xFFFFFEF7, lr;
	s5 =	simm.s32 $0xFFFFFFFF;
	p2 =	slt.u32 s8, $0xFFFFF086  }
0x1c: {  	p1 =	slt.u32 s9, $0xF7A;
	s5 =	simm.s32 @!p2 $0x0  }
0x1d: {  	s5 =	simm.s32 @p1 $0x1;
	p0 =	seq.s32 s7, s2  }
0x1e: {  	s7 =	smul.u32 @!p0 $0xF7A, s2;
	p2 =	seq.s32 @!p0 s5, $0x0  }
0x1f: {  	s9 =	smul.u32 $0xF7A, s1;
	s8 =	simm.s32 @!p0 $0x1BF5;
	p2 =	por !p2, p0  }
0x20: {  	[sflag:s8] =	ssyncset.s32 @!p0 $0xFFFFF086;
	s6 =	sadd.s32 @!p0 s3, s7;
	s7 =	simm.s32 @!p0 $0x108  }
0x21: {  	s3 =	sadd.s32 s3, s9;
	s6 =	sadd.s32 @!p0 $0x88, s6;
	s7 =	simm.s32 @p2 $0x1082  }
0x22: {  	[simem:s7], [sflag:s8] =	dma.local @!p0 [hbm:s6], $0xF7A  }
0x23: {  	s9 =	sor.u32 $0xD0000000, s2;
	s6 =	simm.s32 $0x108;
	_ =	swait.ge @!p0 [sflag:s8], $0x0  }
0x24: {  	s3 =	sadd.s32 $0x88, s3;
	s6 =	simm.s32 @!p1 $0x1082;
	[sflag:s4] =	ssyncset.s32 $0xFFFFF086  }
0x25: {  	[simem:s6], [sflag:s4] =	dma.local [hbm:s3], $0xF7A  }
0x26: {  	[smem:$0x3F9F] =	sst s1;
	(tag) =	ssettag s2;
	_ =	strace s9  }
0x27: {  	s1 =	sld [smem:$0x3FAF]  }
0x28: {  	s2 =	sld [smem:$0x3FB0]  }
0x29: {  	s4 =	sld [smem:$0x3FB2]  }
0x2a: {  	p0 =	seq.s32 s5, $0x0;
	s5 =	sld [smem:$0x3FB3]  }
0x2b: {  	s6 =	sld [smem:$0x3FB4]  }
0x2c: {  	s7 =	sld [smem:$0x3FB5]  }
0x2d: {  	s3 =	simm.s32 $0x108;
	s8 =	sld [smem:$0x3FB6]  }
0x2e: {  	s3 =	simm.s32 @!p0 $0x1082;
	s9 =	sld [smem:$0x3FB7]  }
0x2f: {  	lr =	sadd.s32 s0, s3;
	s0 =	sld [smem:$0x3FAE]  }
0x30: {  	s3 =	sld [smem:$0x3FB1]  }
0x31: {  	[smem:$0x3FBA] =	sst s10  }
0x32: {  	s10 =	sld [smem:$0x3FB8];
	_ =	sdelay $0x3  }
0x33: {  	p0 =	seq.s32 s10, $0x1;
	s10 =	sld [smem:$0x3FBA];
	_ =	sdelay $0x3  }
0x34: {  	[smem:$0x3FBA] =	sst s10  }
0x35: {  	s10 =	sld [smem:$0x3FB9];
	_ =	sdelay $0x3  }
0x36: {  	p1 =	seq.s32 s10, $0x1;
	s10 =	sld [smem:$0x3FBA];
	_ =	sdelay $0x3  }
0x37: {  	[smem:$0x3FBA] =	sst s10  }
0x38: {  	s10 =	sld [smem:$0x3FBB]  }
0x39: {  	_ = 	snop;
	(pc) =	sbr.ind lr, $3  }
0x3a: {  	_ = 	snop  }
0x3b: {  	_ = 	snop  }
0x3c: {  	p2 =	seq.s32 s10, $0x1;
	s10 =	sld [smem:$0x3FBA]  }
0x3d: {  	_ =	shalt  }
0x3e: {  	_ =	shalt  }
0x3f: {  	_ =	shalt  }
0x40: {  	_ =	shalt  }
0x41: {  	_ =	shalt  }
0x42: {  	_ =	shalt  }
0x43: {  	_ =	shalt  }
0x44: {  	_ =	shalt  }
0x45: {  	_ =	shalt  }
0x46: {  	_ =	shalt  }
0x47: {  	_ =	shalt  }
0x48: {  	_ =	shalt  }
0x49: {  	_ =	shalt  }
0x4a: {  	_ =	shalt  }
0x4b: {  	_ =	shalt  }
0x4c: {  	_ =	shalt  }
0x4d: {  	_ =	shalt  }
0x4e: {  	_ =	shalt  }
0x4f: {  	_ =	shalt  }
0x50: {  	_ =	shalt  }
0x51: {  	_ =	shalt  }
0x52: {  	_ =	shalt  }
0x53: {  	_ =	shalt  }
0x54: {  	_ =	shalt  }
0x55: {  	_ =	shalt  }
0x56: {  	_ =	shalt  }
0x57: {  	_ =	shalt  }
0x58: {  	_ =	shalt  }
0x59: {  	_ =	shalt  }
0x5a: {  	_ =	shalt  }
0x5b: {  	_ =	shalt  }
0x5c: {  	_ =	shalt  }
0x5d: {  	_ =	shalt  }
0x5e: {  	_ =	shalt  }
0x5f: {  	_ =	shalt  }
0x60: {  	_ =	shalt  }
0x61: {  	_ =	shalt  }
0x62: {  	_ =	shalt  }
0x63: {  	_ =	shalt  }
0x64: {  	_ =	shalt  }
0x65: {  	_ =	shalt  }
0x66: {  	_ =	shalt  }
0x67: {  	_ =	shalt  }
0x68: {  	_ =	shalt  }
0x69: {  	_ =	shalt  }
0x6a: {  	_ =	shalt  }
0x6b: {  	_ =	shalt  }
0x6c: {  	_ =	shalt  }
0x6d: {  	_ =	shalt  }
0x6e: {  	_ =	shalt  }
0x6f: {  	_ =	shalt  }
0x70: {  	_ =	shalt  }
0x71: {  	_ =	shalt  }
0x72: {  	_ =	shalt  }
0x73: {  	_ =	shalt  }
0x74: {  	_ =	shalt  }
0x75: {  	_ =	shalt  }
0x76: {  	_ =	shalt  }
0x77: {  	_ =	shalt  }
0x78: {  	_ =	shalt  }
0x79: {  	_ =	shalt  }
0x7a: {  	_ =	shalt  }
0x7b: {  	_ =	shalt  }
0x7c: {  	_ =	shalt  }
0x7d: {  	_ =	shalt  }
0x7e: {  	_ =	shalt  }
0x7f: {  	_ =	shalt  }
0x80: {  	_ =	shalt  }
0x81: {  	_ =	shalt  }
0x82: {  	_ =	shalt  }
0x83: {  	_ =	shalt  }
0x84: {  	_ =	shalt  }
0x85: {  	_ =	shalt  }
0x86: {  	_ =	shalt  }
0x87: {  	_ =	shalt  }
.Lfunc_end0:
.L_simem_size_0:
called_computation.1_lowered:
.L_overlay_start_0:
0x88: {  	s2 =	sld [smem:$0x3FD9]  }
0x89: {  	s3 =	sld [smem:$0x3FFE];
	_ =	sdelay $0x1  }
0x8a: {  	s1 =	srdreg.scid  }
0x8b: {  	s0 =	sand.u32 $0x1, s1  }
0x8c: {  	s17 =	sshll.u32 s0, $0xA;
	s2 =	sadd.s32 s3, s2  }
0x8d: {  	s2 =	sadd.s32 s2, s17  }
0x8e: {  	[smem:$0x3FC6] =	sst s2  }
0x8f: {  	_ = 	snop  }
0x90: {  	s2 =	sld [smem:$0x3FD0];
	(tm) =	ssettm $0x1  }
0x91: {  	s18 =	sld [smem:$0x3FFB];
	_ =	sdelay $0x3  }
0x92: {  	_ =	strace s18  }
0x93: {  	s3 =	sld [smem:$0x3FFC];
	_ =	sdelay $0x3  }
0x94: {  	_ =	strace s3  }
0x95: {  	s3 =	sld [smem:$0x3FFD];
	_ =	sdelay $0x3  }
0x96: {  	_ =	strace s3  }
0x97: {  	_ =	strace $0x8FFFFFFF  }
0x98: {  	s19 =	sld [smem:$0x3FDB];
	_ =	sdelay $0x1  }
0x99: {  	s4 =	simm.s32 $_scs_section_size  }
0x9a: {  	s5 =	simm.s32 $_size__tile_overlayer_lowered;
	s6 =	simm.s32 $_tile_overlayer_lowered  }
0x9b: {  	s22 =	simm.s32 $0x1BFF;
	s21 =	sshll.u32 s6, $0x1;
	s3 =	sadd.s32 s4, s19  }
0x9c: {  	s7 =	simm.s32 $0x0;
	s20 =	sshll.u32 s5, $0x1;
	s5 =	sadd.s32 s21, s3  }
0x9d: {  	[timem:s7], [sflag:s22] =	dma.local [hbm:s5], s20  }
0x9e: {  	_ =	swait.ge [sflag:s22], s20  }
0x9f: {  	s4 =	ssub.s32 $0x0, s20;
	[sflag:s22] =	ssyncset.done $0x0  }
0xa0: {  	[sflag:s22] =	ssyncadd.s32 s4;
	_ =	sdelay $0x1  }
0xa1: {  	s23 =	simm.s32 $0x1B8B  }
0xa2: {  	_ =	swait.ge [sflag:s23], $0x1  }
0xa3: {  	[sflag:s23] =	ssyncset.done $0x0  }
0xa4: {  	s25 =	simm.s32 $0x1B8E;
	s24 =	sld [smem:$0x3FFE];
	[sflag:s23] =	ssyncadd.s32 $0xFFFFFFFF  }
0xa5: {  	s26 =	simm.s32 $execute0_lowered;
	[smem:$0x3FD2] =	sst s25  }
0xa6: {  	s5 =	sshll.u32 s26, $0x1;
	_ =	strace $0x80000046;
	[dreg:$0x1] =	wrdreg $0xFFFFFFFF  }
0xa7: {  	s28 =	simm.s32 $_size_execute0_lowered;
	s3 =	sadd.s32 s3, s5;
	[dreg:$0x0] =	wrdreg $0x0  }
0xa8: {  	s5 =	sshll.u32 s28, $0x1;
	[dreg:$0x2] =	wrdreg s3  }
0xa9: {  	[dreg:$0x3] =	wrdreg s5  }
0xaa: {  	[dreg:$0x4] =	wrdreg $0xC0  }
0xab: {  	_ =	task [dreg:s7], $0x5FFFF  }
0xac: {  	[dreg:$0x1] =	wrdreg $0xFFFFFFFF  }
0xad: {  	[dreg:$0x0] =	wrdreg $0x60  }
0xae: {  	[dreg:$0x2] =	wrdreg s24  }
0xaf: {  	[dreg:$0x3] =	wrdreg s2  }
0xb0: {  	[dreg:$0x4] =	wrdreg $0xE4000  }
0xb1: {  	[dreg:$0x5] =	wrdreg $0x9  }
0xb2: {  	_ =	task.clear_ibuf [dreg:s7], $0x6FFFF;
	_ =	strace $0x90000046  }
0xb3: {  	s29 =	simm.s32 $0x9;
	_ =	strace $0x80000048  }
0xb4: {  	_ =	swait.ge [sflag:s29], $0x1  }
0xb5: {  	[sflag:s29] =	ssyncadd.s32 $0xFFFFFFFF  }
0xb6: {  	_ =	strace $0x90000048  }
0xb7: {  	_ =	sfence  }
0xb8: {  	s30 =	sld [smem:$0x0];
	_ =	sdelay $0x2  }
0xb9: {  	s31 =	sshll.u32 s1, $0xD;
	s1 =	sshrl.u32 s1, $0x2  }
0xba: {  	s3 =	sand.u32 $0x4000, s31;
	s1 =	sadd.s32 s1, s30  }
0xbb: {  	s0 =	sor.u32 s3, s0;
	s1 =	sshll.u32 s1, $0x11  }
0xbc: {  	s0 =	sor.u32 s1, s0  }
0xbd: {  	s0 =	sadd.s32 $0x8F2B, s0  }
0xbe: {  	[sflag:s0] =	ssyncadd.remote.s32 $0x1  }
0xbf: {  	_ =	sfence.sel $0xFFFF  }
0xc0: {  	[dreg:$0x0] =	wrdreg $0xFFFFFFFF;
	(pc) =	sbr.abs _section_cstart, $3  }
0xc1: {  	[dreg:$0x1] =	wrdreg $0xFFFFFFFF  }
0xc2: {  	_ =	task.clear_ibuf [dreg:s7], $0x2FFFF;
	_ =	strace $0x9FFFFFFF  }
0xc3: {  	(tm) =	ssettm $0x7FFFFFFF  }
tec
execute0_lowered:
.L_overlay_start_1:
0x0: {  	(tag) =	ssettag $0x1  }
0x1: {  	s0 =	rddreg [dreg:$0x0]  }
0x2: {  	s1 =	srdreg.scid;
	s3 =	stileid.u32  }
0x3: {  	s4 =	rddreg [dreg:$0x1];
	s15 =	simm.s32 $0x9;
	s16 =	simm.s32 $0x80  }
0x4: {  	s17 =	simm.s32 $0x6400;
	s18 =	simm.s32 $0x8400;
	s20 =	simm.s32 $0xA400  }
0x5: {  	s28 =	simm.s32 $0x6;
	s29 =	simm.s32 $0x4;
	s30 =	simm.s32 $0x7  }
0x6: {  	s31 =	simm.s32 $0x8;
	s5 =	sand.u32 $0x1, s1;
	s2 =	sshll.u32 s3, $0x1  }
0x7: {  	s1 =	rddreg [dreg:$0x2];
	s10 =	smul.u32 $0xC800, s3;
	p0 =	sne.s32 s3, $0x0  }
0x8: {  	s6 =	sor.u32 s5, s2;
	s2 =	simm.s32 $0x0;
	s12 =	smul.u32 $0x6400, s5  }
0x9: {  	s9 =	ssub.s32 $0x2, s5;
	s14 =	sshrl.u32 @!p0 s1, $0x3;
	s7 =	smul.u32 $0x6400, s6  }
0xa: {  	[smem:$0x7FF] =	sst s2;
	s8 =	smul.u32 $0x32000, s6;
	s11 =	sshrl.u32 s9, $0x1  }
0xb: {  	s6 =	smul.u32 $0x190000, s6;
	_ =	strace $0x80000047;
	s21 =	ssub.s32 s9, s11  }
0xc: {  	s24 =	sadd.s32 s12, s10;
	s7 =	sshrl.u32 s7, $0x3;
	s23 =	sadd.s32 s4, s8  }
0xd: {  	s6 =	sshrl.u32 s6, $0x3;
	s9 =	smax.u32 s21, $0x1;
	s7 =	sadd.s32 s7, s0  }
0xe: {  	s0 =	sadd.s32 $0x800, s0;
	[dreg:$0x6] =	wrdreg s23;
	s5 =	sadd.s32 $0x400, s23  }
0xf: {  	s6 =	sadd.s32 s4, s6;
	s23 =	simm.s32 $0x1;
	[dreg:$0x4] =	wrdreg s0  }
0x10: {  	s22 =	sadd.s32 $0xA00, s7;
	[dreg:$0x7] =	wrdreg s5;
	s7 =	sshll.u32 s24, $0x3  }
0x11: {  	s25 =	sadd.s32 $0x31800, s6;
	s26 =	sadd.s32 $0x31C00, s6;
	[dreg:$0x5] =	wrdreg s22  }
0x12: {  	s24 =	simm.s32 $0x2;
	s0 =	simm.s32 $0x0;
	[dreg:$0x8] =	wrdreg s25  }
0x13: {  	[dreg:$0x9] =	wrdreg s26;
	s4 =	sadd.s32 s7, s4;
	s22 =	simm.s32 $0xC400  }
0x14: {  	s25 =	simm.s32 $0x5;
	s26 =	simm.s32 $0x3;
	s10 =	sadd.s32 $0xC00, s4  }
0x15: {  	s11 =	sadd.s32 $0x800, s4;
	s7 =	sadd.s32 $0x1400, s4;
	s13 =	sadd.s32 $0x1000, s4  }
.LBB2_1:
0x16: {  	s3 =	simm.s32 @!p0 $0x1C09;
	s4 =	rddreg [dreg:$0x4]  }
0x17: {  	[spmem:s14], [sflag:s3] =	dma.local @!p0 [hbm:s4], $0x100  }
0x18: {  	s3 =	simm.s32 @!p0 $0x9  }
0x19: {  	_ =	swait.ge @!p0 [sflag:s3], $0x100  }
0x1a: {  	[sflag:s3] =	ssyncset.done @!p0 $0x0  }
0x1b: {  	s19 =	rddreg [dreg:$0x5];
	[sflag:s3] =	ssyncadd.s32 @!p0 $0xFFFFFF00  }
0x1c: {  	[tilespmem:s2], [sflag:$0x9] =	stream.linear.gather [hbm4b:s19+s2], $0x6400, $0x38;
	[tilespmem:$0xE480] =	vst v63  }
0x1d: {  	_ =	swait.ge [sflag:s15], $0x6400  }
0x1e: {  	[sflag:s15] =	ssyncset.done $0x0  }
0x1f: {  	[sflag:s15] =	ssyncadd.s32 $0xFFFF9C00  }
0x20: {  	[bflag:$0x0] =	sbarrier.arrive $0xFFFF  }
0x21: {  	[tilespmem:s17], [sflag:$0x1] =	stream.indirect.gather [spmem:s1], $0x40, s2, s16, $0xb8;
	[tilespmem:$0xE480] =	vst v63  }
0x22: {  	_ = 	snop  }
0x23: {  	[tilespmem:s18], [sflag:$0x2] =	stream.indirect.gather [spmem:s1], $0x40, s16, s16, $0xb8;
	[tilespmem:$0xE480] =	vst v63  }
0x24: {  	s21 =	simm.s32 $0x100  }
0x25: {  	[tilespmem:s20], [sflag:$0x3] =	stream.indirect.gather [spmem:s1], $0x40, s21, s16, $0xb8;
	[tilespmem:$0xE480] =	vst v63  }
0x26: {  	s4 =	simm.s32 $0x180  }
0x27: {  	[tilespmem:s22], [sflag:$0x4] =	stream.indirect.gather [spmem:s1], $0x40, s4, s16, $0xb8;
	[tilespmem:$0xE480] =	vst v63  }
0x28: {  	_ =	swait.ge [sflag:s23], $0x2000  }
0x29: {  	[sflag:s23] =	ssyncset.done $0x0  }
0x2a: {  	s5 =	rddreg [dreg:$0x6];
	[sflag:s23] =	ssyncadd.s32 $0xFFFFE000  }
0x2b: {  	[hbm4b:s5+s2] =	stream.linear.scatter [tilespmem:s17], [sflag:$0x5], $0x2000, $0x38;
	[tilespmem:$0xE480] =	vst v63  }
0x2c: {  	_ =	swait.ge [sflag:s24], $0x2000  }
0x2d: {  	[sflag:s24] =	ssyncset.done $0x0  }
0x2e: {  	s6 =	rddreg [dreg:$0x7];
	[sflag:s24] =	ssyncadd.s32 $0xFFFFE000  }
0x2f: {  	[hbm4b:s6+s2] =	stream.linear.scatter [tilespmem:s18], [sflag:$0x6], $0x2000, $0x38;
	[tilespmem:$0xE480] =	vst v63  }
0x30: {  	_ =	swait.ge [sflag:s25], $0x2000  }
0x31: {  	[sflag:s25] =	ssyncset.done $0x0  }
0x32: {  	s8 =	simm.s32 $0x200;
	[sflag:s25] =	ssyncadd.s32 $0xFFFFE000  }
0x33: {  	[tilespmem:s17], [sflag:$0x1] =	stream.indirect.gather [spmem:s1], $0x40, s8, s16, $0xb8;
	[tilespmem:$0xE480] =	vst v63  }
0x34: {  	_ =	swait.ge [sflag:s26], $0x2000  }
0x35: {  	[sflag:s26] =	ssyncset.done $0x0  }
0x36: {  	[sflag:s26] =	ssyncadd.s32 $0xFFFFE000  }
0x37: {  	[hbm4b:s11+s2] =	stream.linear.scatter [tilespmem:s20], [sflag:$0x7], $0x2000, $0x38;
	[tilespmem:$0xE480] =	vst v63  }
0x38: {  	_ =	swait.ge [sflag:s28], $0x2000  }
0x39: {  	[sflag:s28] =	ssyncset.done $0x0  }
0x3a: {  	s12 =	simm.s32 $0x280;
	[sflag:s28] =	ssyncadd.s32 $0xFFFFE000  }
0x3b: {  	[tilespmem:s18], [sflag:$0x2] =	stream.indirect.gather [spmem:s1], $0x40, s12, s16, $0xb8;
	[tilespmem:$0xE480] =	vst v63  }
0x3c: {  	_ =	swait.ge [sflag:s29], $0x2000  }
0x3d: {  	[sflag:s29] =	ssyncset.done $0x0  }
0x3e: {  	[sflag:s29] =	ssyncadd.s32 $0xFFFFE000  }
0x3f: {  	[hbm4b:s10+s2] =	stream.linear.scatter [tilespmem:s22], [sflag:$0x8], $0x2000, $0x38;
	[tilespmem:$0xE480] =	vst v63  }
0x40: {  	_ =	swait.ge [sflag:s30], $0x2000  }
0x41: {  	[sflag:s30] =	ssyncset.done $0x0  }
0x42: {  	s19 =	simm.s32 $0x300;
	[sflag:s30] =	ssyncadd.s32 $0xFFFFE000  }
0x43: {  	[tilespmem:s20], [sflag:$0x3] =	stream.indirect.gather [spmem:s1], $0x40, s19, s16, $0xb8;
	[tilespmem:$0xE480] =	vst v63  }
0x44: {  	_ =	swait.ge [sflag:s23], $0x2000  }
0x45: {  	[sflag:s23] =	ssyncset.done $0x0  }
0x46: {  	[sflag:s23] =	ssyncadd.s32 $0xFFFFE000  }
0x47: {  	[hbm4b:s13+s2] =	stream.linear.scatter [tilespmem:s17], [sflag:$0x5], $0x2000, $0x38;
	[tilespmem:$0xE480] =	vst v63  }
0x48: {  	_ =	swait.ge [sflag:s31], $0x2000  }
0x49: {  	[sflag:s31] =	ssyncset.done $0x0  }
0x4a: {  	s21 =	simm.s32 $0x380;
	[sflag:s31] =	ssyncadd.s32 $0xFFFFE000  }
0x4b: {  	[tilespmem:s22], [sflag:$0x4] =	stream.indirect.gather [spmem:s1], $0x40, s21, s16, $0xb8;
	[tilespmem:$0xE480] =	vst v63  }
0x4c: {  	s3 =	sadd.s32 $0x1000, s13;
	s4 =	sadd.s32 $0x1000, s10;
	_ =	swait.ge [sflag:s24], $0x2000  }
0x4d: {  	s6 =	sadd.s32 $0x1000, s11;
	s12 =	smov.u32 s7;
	[sflag:s24] =	ssyncset.done $0x0  }
0x4e: {  	s19 =	simm.s32 $0x800;
	s21 =	sadd.s32 $0x1000, s7;
	[sflag:s24] =	ssyncadd.s32 $0xFFFFE000  }
.LBB2_2:
0x4f: {  	[hbm4b:s12+s2] =	stream.linear.scatter [tilespmem:s18], [sflag:$0x6], $0x2000, $0x38;
	[tilespmem:$0xE480] =	vst v63  }
0x50: {  	s5 =	smov.u32 s19;
	s12 =	smov.u32 s21  }
0x51: {  	p1 =	sne.s32 s19, $0x18000;
	s19 =	sadd.s32 $0x800, s19;
	_ =	swait.ge [sflag:s25], $0x2000  }
0x52: {  	s5 =	sshra.s32 s5, $0x2;
	[sflag:s25] =	ssyncset.done $0x0  }
0x53: {  	s8 =	sadd.s32 $0x200, s5;
	[sflag:s25] =	ssyncadd.s32 $0xFFFFE000  }
0x54: {  	[tilespmem:s17], [sflag:$0x1] =	stream.indirect.gather [spmem:s1], $0x40, s8, s16, $0xb8;
	[tilespmem:$0xE480] =	vst v63  }
0x55: {  	_ =	swait.ge [sflag:s26], $0x2000  }
0x56: {  	[sflag:s26] =	ssyncset.done $0x0  }
0x57: {  	[sflag:s26] =	ssyncadd.s32 $0xFFFFE000  }
0x58: {  	[hbm4b:s6+s2] =	stream.linear.scatter [tilespmem:s20], [sflag:$0x7], $0x2000, $0x38;
	[tilespmem:$0xE480] =	vst v63  }
0x59: {  	_ =	swait.ge [sflag:s28], $0x2000  }
0x5a: {  	[sflag:s28] =	ssyncset.done $0x0  }
0x5b: {  	s8 =	sadd.s32 $0x280, s5;
	[sflag:s28] =	ssyncadd.s32 $0xFFFFE000  }
0x5c: {  	[tilespmem:s18], [sflag:$0x2] =	stream.indirect.gather [spmem:s1], $0x40, s8, s16, $0xb8;
	[tilespmem:$0xE480] =	vst v63  }
0x5d: {  	_ =	swait.ge [sflag:s29], $0x2000  }
0x5e: {  	[sflag:s29] =	ssyncset.done $0x0  }
0x5f: {  	[sflag:s29] =	ssyncadd.s32 $0xFFFFE000  }
0x60: {  	[hbm4b:s4+s2] =	stream.linear.scatter [tilespmem:s22], [sflag:$0x8], $0x2000, $0x38;
	[tilespmem:$0xE480] =	vst v63  }
0x61: {  	_ =	swait.ge [sflag:s30], $0x2000  }
0x62: {  	[sflag:s30] =	ssyncset.done $0x0  }
0x63: {  	s8 =	sadd.s32 $0x300, s5;
	[sflag:s30] =	ssyncadd.s32 $0xFFFFE000  }
0x64: {  	[tilespmem:s20], [sflag:$0x3] =	stream.indirect.gather [spmem:s1], $0x40, s8, s16, $0xb8;
	[tilespmem:$0xE480] =	vst v63  }
0x65: {  	_ =	swait.ge [sflag:s23], $0x2000  }
0x66: {  	[sflag:s23] =	ssyncset.done $0x0  }
0x67: {  	[sflag:s23] =	ssyncadd.s32 $0xFFFFE000  }
0x68: {  	[hbm4b:s3+s2] =	stream.linear.scatter [tilespmem:s17], [sflag:$0x5], $0x2000, $0x38;
	[tilespmem:$0xE480] =	vst v63  }
0x69: {  	_ =	swait.ge [sflag:s31], $0x2000  }
0x6a: {  	[sflag:s31] =	ssyncset.done $0x0  }
.Ltmp0:
0x6b: {  	s5 =	sadd.s32 $0x380, s5;
	[sflag:s31] =	ssyncadd.s32 $0xFFFFE000;
	(pc) =	sbr.rel @p1 .LBB2_2-.Ltmp0, $4  }
0x6c: {  	[tilespmem:s22], [sflag:$0x4] =	stream.indirect.gather [spmem:s1], $0x40, s5, s16, $0xb8;
	[tilespmem:$0xE480] =	vst v63  }
0x6d: {  	_ =	swait.ge [sflag:s24], $0x2000  }
0x6e: {  	s21 =	sadd.s32 $0x1000, s21;
	s3 =	sadd.s32 $0x1000, s3;
	[sflag:s24] =	ssyncset.done $0x0  }
0x6f: {  	s6 =	sadd.s32 $0x1000, s6;
	s4 =	sadd.s32 $0x1000, s4;
	[sflag:s24] =	ssyncadd.s32 $0xFFFFE000  }
0x70: {  	[hbm4b:s12+s2] =	stream.linear.scatter [tilespmem:s18], [sflag:$0x6], $0x2000, $0x38;
	[tilespmem:$0xE480] =	vst v63  }
0x71: {  	_ =	swait.ge [sflag:s26], $0x2000  }
0x72: {  	[sflag:s26] =	ssyncset.done $0x0  }
0x73: {  	s3 =	rddreg [dreg:$0x8];
	[sflag:s26] =	ssyncadd.s32 $0xFFFFE000  }
0x74: {  	[hbm4b:s3+s2] =	stream.linear.scatter [tilespmem:s20], [sflag:$0x7], $0x2000, $0x38;
	[tilespmem:$0xE480] =	vst v63  }
0x75: {  	_ =	swait.ge [sflag:s29], $0x2000  }
0x76: {  	[sflag:s29] =	ssyncset.done $0x0  }
0x77: {  	s21 =	rddreg [dreg:$0x9];
	[sflag:s29] =	ssyncadd.s32 $0xFFFFE000  }
0x78: {  	[hbm4b:s21+s2] =	stream.linear.scatter [tilespmem:s22], [sflag:$0x8], $0x2000, $0x38;
	[tilespmem:$0xE480] =	vst v63  }
0x79: {  	_ =	swait.ge [sflag:s25], $0x2000  }
0x7a: {  	[sflag:s25] =	ssyncset.done $0x0  }
0x7b: {  	[sflag:s25] =	ssyncadd.s32 $0xFFFFE000  }
0x7c: {  	_ =	swait.ge [sflag:s28], $0x2000  }
0x7d: {  	[sflag:s28] =	ssyncset.done $0x0  }
0x7e: {  	s0 =	sadd.s32 $0x1, s0;
	[sflag:s28] =	ssyncadd.s32 $0xFFFFE000  }
0x7f: {  	p1 =	sne.s32 s0, s9;
	_ =	swait.ge [sflag:s30], $0x2000  }
.Ltmp1:
0x80: {  	[sflag:s30] =	ssyncset.done $0x0;
	(pc) =	sbr.rel @p1 .LBB2_1-.Ltmp1, $4  }
0x81: {  	[sflag:s30] =	ssyncadd.s32 $0xFFFFE000  }
0x82: {  	_ =	swait.ge [sflag:s31], $0x2000  }
0x83: {  	[sflag:s31] =	ssyncset.done $0x0  }
0x84: {  	[sflag:s31] =	ssyncadd.s32 $0xFFFFE000  }
0x85: {  	_ =	sfence.sel $0x180000  }
0x86: {  	[bflag:$0x0] =	sbarrier.arrive $0xFFFF  }
0x87: {  	_ =	strace $0x90000047  }
0x88: {  	[bflag:$0x2] =	sbarrier.arrive $0xFFFF  }
0x89: {  	s0 =	rddreg [dreg:$0x3]  }
0x8a: {  	s0 =	sadd.s32 @!p0 $0x100000, s0  }
0x8b: {  	[sflag:s0] =	ssyncadd.tile.s32 @!p0 $0x1;
	_ =	shalt  }
.Lfunc_end2:
_tile_overlayer_lowered:
.L_overlay_start_2:
0x8c: {  	(tag) =	ssettag $0x2  }
0x8d: {  	s0 =	rddreg [dreg:$0x0];
	s2 =	stileid.u32  }
0x8e: {  	s1 =	rddreg [dreg:$0x1];
	p0 =	sne.s32 s2, $0x0  }
0x8f: {  	s3 =	rddreg [dreg:$0x2];
	[bflag:$0x3] =	sbarrier.arrive $0xFFFF;
	s2 =	simm.s32 @!p0 $0x1C09  }
0x90: {  	[timem:s3], [sflag:s2] =	dma.local @!p0 [hbm:s0], s1  }
0x91: {  	s0 =	simm.s32 @!p0 $0x9  }
0x92: {  	_ =	swait.ge @!p0 [sflag:s0], s1  }
0x93: {  	s1 =	ssub.s32 @!p0 $0x0, s1;
	[sflag:s0] =	ssyncset.done @!p0 $0x0  }
0x94: {  	[sflag:s0] =	ssyncadd.s32 @!p0 s1  }
0x95: {  	[bflag:$0x3] =	sbarrier.arrive $0xFFFF  }
0x96: {  	_ =	shalt  }

// kernel: sparse-core-data-format-call.cloned.1.call-start
scs
called_computation_lowered:
.L_overlay_start_0:
0x0: {  	s2 =	sld [smem:$0x3FD9]  }
0x1: {  	s3 =	sld [smem:$0x3FFE];
	_ =	sdelay $0x1  }
0x2: {  	s1 =	srdreg.scid  }
0x3: {  	s0 =	sand.u32 $0x1, s1  }
0x4: {  	s18 =	sshll.u32 s0, $0xA;
	s2 =	sadd.s32 s3, s2  }
0x5: {  	s2 =	sadd.s32 s2, s18  }
0x6: {  	[smem:$0x3FC6] =	sst s2  }
0x7: {  	_ = 	snop  }
0x8: {  	s2 =	sld [smem:$0x3FD0];
	(tm) =	ssettm $0x1  }
0x9: {  	s19 =	sld [smem:$0x3FFB];
	_ =	sdelay $0x3  }
0xa: {  	_ =	strace s19  }
0xb: {  	s3 =	sld [smem:$0x3FFC];
	_ =	sdelay $0x3  }
0xc: {  	_ =	strace s3  }
0xd: {  	s3 =	sld [smem:$0x3FFD];
	_ =	sdelay $0x3  }
0xe: {  	_ =	strace s3  }
0xf: {  	_ =	strace $0x8FFFFFFF  }
0x10: {  	s20 =	sld [smem:$0x3FDB];
	_ =	sdelay $0x1  }
0x11: {  	s4 =	simm.s32 $_scs_section_size  }
0x12: {  	s5 =	simm.s32 $_size__tile_overlayer_lowered;
	s6 =	simm.s32 $_tile_overlayer_lowered  }
0x13: {  	s23 =	simm.s32 $0x1BFF;
	s22 =	sshll.u32 s6, $0x1;
	s3 =	sadd.s32 s4, s20  }
0x14: {  	s7 =	simm.s32 $0x0;
	s21 =	sshll.u32 s5, $0x1;
	s5 =	sadd.s32 s22, s3  }
0x15: {  	[timem:s7], [sflag:s23] =	dma.local [hbm:s5], s21  }
0x16: {  	_ =	swait.ge [sflag:s23], s21  }
0x17: {  	s4 =	ssub.s32 $0x0, s21;
	[sflag:s23] =	ssyncset.done $0x0  }
0x18: {  	[sflag:s23] =	ssyncadd.s32 s4;
	_ =	sdelay $0x1  }
0x19: {  	s24 =	simm.s32 $0x1B8B  }
0x1a: {  	_ =	swait.ge [sflag:s24], $0x1  }
0x1b: {  	[sflag:s24] =	ssyncset.done $0x0  }
0x1c: {  	s26 =	simm.s32 $0x1B8E;
	s25 =	sld [smem:$0x3FFE];
	[sflag:s24] =	ssyncadd.s32 $0xFFFFFFFF  }
0x1d: {  	s27 =	simm.s32 $execute0_lowered;
	[smem:$0x3FD2] =	sst s26  }
0x1e: {  	s5 =	sshll.u32 s27, $0x1;
	_ =	strace $0x80000049;
	[dreg:$0x1] =	wrdreg $0xFFFFFFFF  }
0x1f: {  	s28 =	simm.s32 $_size_execute0_lowered;
	s3 =	sadd.s32 s3, s5;
	[dreg:$0x0] =	wrdreg $0x0  }
0x20: {  	s5 =	sshll.u32 s28, $0x1;
	[dreg:$0x2] =	wrdreg s3  }
0x21: {  	[dreg:$0x3] =	wrdreg s5  }
0x22: {  	[dreg:$0x4] =	wrdreg $0xC0  }
0x23: {  	_ =	task [dreg:s7], $0x5FFFF  }
0x24: {  	[dreg:$0x1] =	wrdreg $0xFFFFFFFF  }
0x25: {  	[dreg:$0x0] =	wrdreg $0x60  }
0x26: {  	[dreg:$0x2] =	wrdreg s25  }
0x27: {  	[dreg:$0x3] =	wrdreg s2  }
0x28: {  	[dreg:$0x4] =	wrdreg $0x9  }
0x29: {  	_ =	task.clear_ibuf [dreg:s7], $0x5FFFF;
	_ =	strace $0x90000049  }
0x2a: {  	s29 =	simm.s32 $0x9;
	_ =	strace $0x8000004B  }
0x2b: {  	_ =	swait.ge [sflag:s29], $0x1  }
0x2c: {  	[sflag:s29] =	ssyncadd.s32 $0xFFFFFFFF  }
0x2d: {  	_ =	strace $0x9000004B  }
0x2e: {  	_ =	sfence  }
0x2f: {  	s30 =	sld [smem:$0x0];
	_ =	sdelay $0x2  }
0x30: {  	s31 =	sshll.u32 s1, $0xD;
	s1 =	sshrl.u32 s1, $0x2  }
0x31: {  	s3 =	sand.u32 $0x4000, s31;
	s1 =	sadd.s32 s1, s30  }
0x32: {  	s0 =	sor.u32 s3, s0;
	s1 =	sshll.u32 s1, $0x11  }
0x33: {  	s0 =	sor.u32 s1, s0  }
0x34: {  	s0 =	sadd.s32 $0x8F2B, s0  }
0x35: {  	[sflag:s0] =	ssyncadd.remote.s32 $0x1  }
0x36: {  	_ =	sfence.sel $0xFFFF  }
0x37: {  	[dreg:$0x0] =	wrdreg $0xFFFFFFFF;
	(pc) =	sbr.abs _section_cstart, $3  }
0x38: {  	[dreg:$0x1] =	wrdreg $0xFFFFFFFF  }
0x39: {  	_ =	task.clear_ibuf [dreg:s7], $0x2FFFF;
	_ =	strace $0x9FFFFFFF  }
0x3a: {  	(tm) =	ssettm $0x7FFFFFFF  }
0x3b: {  	_ =	shalt  }
tec
execute0_lowered:
.L_overlay_start_1:
0x0: {  	(tag) =	ssettag $0x1  }
0x1: {  	s0 =	srdreg.scid  }
0x2: {  	s1 =	sshll.u32 s0, $0x4  }
0x3: {  	s0 =	stileid.u32;
	s1 =	sand.u32 $0x10, s1  }
0x4: {  	s1 =	sor.u32 s0, s1  }
0x5: {  	s6 =	rddreg [dreg:$0x0];
	s4 =	simm.s32 $0x1;
	s2 =	sshll.u32 s1, $0x7  }
0x6: {  	s7 =	simm.s32 $0x2;
	s12 =	simm.s32 $0x0;
	s1 =	ssub.s32 $0x1000, s2  }
0x7: {  	s8 =	simm.s32 $0x8000;
	s13 =	simm.s32 $0x0;
	s3 =	sand.u32 $0xF80, s1  }
0x8: {  	s9 =	simm.s32 $0x0;
	s5 =	sshrl.u32 s1, $0xC;
	p0 =	sne.s32 s3, $0x0  }
.Ltmp0:
0x9: {  	s1 =	rddreg [dreg:$0x2];
	s4 =	simm.s32 @!p0 $0x0;
	(pc) =	sbr.rel .LBB1_1-.Ltmp0, $4  }
0xa: {  	s11 =	simm.s32 $0x0;
	s3 =	rddreg [dreg:$0x1];
	s5 =	sadd.s32 s4, s5  }
0xb: {  	_ =	strace $0x8000004A;
	s4 =	simm.s32 $0x1;
	s5 =	smul.u32 $0xC8, s5  }
0xc: {  	s6 =	sadd.s32 $0x800, s6;
	s10 =	smov.u32 s2;
	[sflag:s4] =	ssyncpa.u1 $0x0  }
0xd: {  	p0 =	por $0x0, $0x0;
	[sflag:s7] =	ssyncpa.u1 $0x0;
	s7 =	sor.u32 $0x1, s5  }
.LBB1_4:
0xe: {  	s16 =	sshll.u32 s13, $0x3;
	s17 =	sand.u32 $0x78, s13  }
0xf: {  	s30 =	sand.u32 $0x7E00, s13;
	s12 =	sshll.u32 s12, $0xF;
	s16 =	sand.u32 $0xC00, s16  }
0x10: {  	[tilespmem:s15+$0x810 ss:$0x81] =	vst.msk $0xffff, v2;
	s31 =	sand.u32 $0x7, s13;
	s16 =	sor.u32 s17, s16;
	s17 =	sadd.s32 s3, s30  }
0x11: {  	[tilespmem:s15+$0x1020 ss:$0x81] =	vst.msk $0xffff, v0;
	s13 =	sshll.u32 s31, $0x12;
	s12 =	sadd.s32 s12, s17;
	s16 =	sshrl.u32 s16, $0x3  }
0x12: {  	[tilespmem:s15+$0x0 ss:$0x81] =	vst.msk $0xffff, v1;
	s13 =	sor.u32 $0x400, s13;
	s12 =	sadd.s32 s16, s12  }
0x13: {  	[hbm4b:s12+s13] =	stream.strided.scatter [tilespmem:s14], [sflag:$0x2], $0x2000, s8, s13, $0x20;
	[tilespmem:$0x8080] =	vst v63  }
.LBB1_5:
0x14: {  	s14 =	sadd.s32 $0x1, s9  }
0x15: {  	s12 =	sadd.s32 $0x1000, s10;
	s16 =	smov.u32 s10;
	p2 =	sgt.s32 s14, $0xC7  }
0x16: {  	s16 =	smov.u32 @p2 s12  }
0x17: {  	s14 =	simm.s32 @p2 $0x0;
	p2 =	sgt.s32 s16, $0xFFF  }
0x18: {  	s16 =	smov.u32 @p2 s2;
	p2 =	sne.s32 s11, s7  }
.Ltmp1:
0x19: {  	p1 =	slt.u32 s11, $0x2;
	(pc) =	sbr.rel @!p2 .LBB1_6-.Ltmp1, $4  }
0x1a: {  	s15 =	simm.s32 @!p1 $0x2  }
0x1b: {  	s13 =	smov.u32 s10;
	p0 =	por !p0, !p0;
	_ =	swait.ge @!p1 [sflag:s15], $0x2000  }
0x1c: {  	s12 =	smov.u32 s9;
	[sflag:s15] =	ssyncset.done @!p1 $0x0;
	s9 =	smov.u32 s14  }
0x1d: {  	s11 =	sadd.s32 $0x1, s11;
	[sflag:s15] =	ssyncadd.s32 @!p1 $0xFFFFE000;
	s10 =	smov.u32 s16  }
.LBB1_1:
0x1e: {  	p1 =	sge.u32 s11, s5  }
0x1f: {  	s14 =	sand.u32 @!p1 $0x1FFFFFF, s9  }
0x20: {  	s15 =	smulhi.u32 @!p1 $0x147AE15, s14;
	_ =	sdelay $0x1  }
0x21: {  	s15 =	smul.u32 @!p1 $0xC8, s15  }
0x22: {  	s16 =	sxor.u32 @!p1 $0xFFFFFFFF, s11;
	s17 =	smul.u32 @!p1 $0xC80, s10  }
0x23: {  	s31 =	sadd.s32 $0xFFFFFFFF, s11;
	s16 =	sshll.u32 @!p1 s16, $0xD;
	s14 =	ssub.s32 @!p1 s14, s15  }
0x24: {  	s15 =	sand.u32 @!p1 $0x2000, s16;
	s16 =	sadd.s32 @!p1 s6, s17;
	s14 =	sshll.u32 @!p1 s14, $0x4  }
0x25: {  	s17 =	simm.s32 @!p1 $0x6400;
	s14 =	sadd.s32 @!p1 s14, s16;
	s16 =	simm.s32 @!p1 $0x40  }
0x26: {  	[tilespmem:s15], [sflag:$0x1] =	stream.strided.gather @!p1 [hbm4b:s14+s16], $0x2000, s17, s16, $0x38;
	[tilespmem:$0x8080] =	vst v63  }
0x27: {  	p1 =	sge.u32 s31, s5  }
.Ltmp2:
0x28: {  	_ = 	snop;
	(pc) =	sbr.rel @p1 .LBB1_5-.Ltmp2, $1  }
0x29: {  	_ =	sdelay $0x3  }
0x2a: {  	s14 =	simm.s32 $0x1  }
0x2b: {  	_ =	swait.ge [sflag:s4], $0x2000;
	s14 =	simm.s32 @!p0 $0x0  }
0x2c: {  	[sflag:s4] =	ssyncset.done $0x0;
	s15 =	sshll.u32 s14, $0xD  }
0x2d: {  	[sflag:s4] =	ssyncadd.s32 $0xFFFFE000;
	s18 =	sor.u32 $0x20, s15  }
0x2e: {  	s14 =	smul.u32 $0x8100, s14;
	v3 =	vld [tilespmem:s18+$0x10]  }
0x2f: {  	s30 =	sand.u32 $0x1, s11;
	v2 =	vld [tilespmem:s18+$0xFFFFFFF0]  }
0x30: {  	s15 =	smul.u32 $0x8100, s30;
	s14 =	sshrl.u32 s14, $0x2;
	v0 =	vld [tilespmem:s18+$0x0]  }
0x31: {  	v1 =	vld [tilespmem:s18+$0xFFFFFFE0];
	s16 =	sor.u32 $0x4000, s14  }
0x32: {  	s31 =	sshrl.u32 s15, $0x2;
	s15 =	sadd.s32 $0x0, s16  }
0x33: {  	s17 =	simm.s32 $0x4;
	s18 =	sadd.s32 $0x40, s18;
	s14 =	sor.u32 $0x4000, s31;
	[tilespmem:s15+$0x1830 ss:$0x81] =	vst.msk $0xffff, v3  }
.LBB1_3:
0x34: {  	v3 =	vld [tilespmem:s18+$0x10];
	p1 =	sne.s32 s17, $0x1FC;
	[tilespmem:s15+$0x810 ss:$0x81] =	vst.msk $0xffff, v2;
	s19 =	smov.u32 s17;
	s17 =	sadd.s32 $0x4, s17  }
.Ltmp3:
0x35: {  	v2 =	vld [tilespmem:s18+$0xFFFFFFF0];
	[tilespmem:s15+$0x1020 ss:$0x81] =	vst.msk $0xffff, v0;
	(pc) =	sbr.rel @p1 .LBB1_3-.Ltmp3, $4  }
0x36: {  	v0 =	vld [tilespmem:s18+$0x0];
	[tilespmem:s15+$0x0 ss:$0x81] =	vst.msk $0xffff, v1  }
0x37: {  	s15 =	sshra.s32 s19, $0x2;
	v1 =	vld [tilespmem:s18+$0xFFFFFFE0]  }
0x38: {  	s15 =	sadd.s32 s15, s16  }
0x39: {  	s18 =	sadd.s32 $0x40, s18;
	[tilespmem:s15+$0x1830 ss:$0x81] =	vst.msk $0xffff, v3  }
.Ltmp4:
0x3a: {  	_ = 	snop;
	(pc) =	sbr.rel .LBB1_4-.Ltmp4, $1  }
0x3b: {  	_ =	sdelay $0x3  }
.LBB1_6:
0x3c: {  	_ =	sfence.sel $0x180000  }
0x3d: {  	s2 =	simm.s32 $0x1;
	[bflag:$0x0] =	sbarrier.arrive $0xFFFF  }
0x3e: {  	s31 =	simm.s32 $0x2;
	[sflag:s2] =	ssyncpa.u1 $0x1  }
0x3f: {  	[sflag:s31] =	ssyncpa.u1 $0x1  }
0x40: {  	p0 =	sne.s32 s0, $0x0;
	_ =	strace $0x9000004A  }
0x41: {  	s0 =	sadd.s32 @!p0 $0x100000, s1;
	[bflag:$0x2] =	sbarrier.arrive $0xFFFF  }
0x42: {  	[sflag:s0] =	ssyncadd.tile.s32 @!p0 $0x1;
	_ =	shalt  }
.Lfunc_end1:
_tile_overlayer_lowered:
.L_overlay_start_2:
0x43: {  	(tag) =	ssettag $0x2  }
0x44: {  	s0 =	rddreg [dreg:$0x0];
	s2 =	stileid.u32  }
0x45: {  	s1 =	rddreg [dreg:$0x1];
	p0 =	sne.s32 s2, $0x0  }
0x46: {  	s3 =	rddreg [dreg:$0x2];
	[bflag:$0x3] =	sbarrier.arrive $0xFFFF;
	s2 =	simm.s32 @!p0 $0x1C01  }
0x47: {  	[timem:s3], [sflag:s2] =	dma.local @!p0 [hbm:s0], s1  }
0x48: {  	s0 =	simm.s32 @!p0 $0x1  }
0x49: {  	_ =	swait.ge @!p0 [sflag:s0], s1  }
0x4a: {  	s1 =	ssub.s32 @!p0 $0x0, s1;
	[sflag:s0] =	ssyncset.done @!p0 $0x0  }
0x4b: {  	[sflag:s0] =	ssyncadd.s32 @!p0 s1  }
0x4c: {  	[bflag:$0x3] =	sbarrier.arrive $0xFFFF  }
0x4d: {  	_ =	shalt  }

</sc_bundles>
